<compile_context>
chip_gen: v7x
topology: tpu7x:2x2x1
jax: 0.10.2.dev20260603
libtpu: 0.0.44.dev20260713+nightly
codegen_flags: <defaults>
</compile_context>

<pallas_src>
import functools

import jax
import jax.numpy as jnp
from jax import lax
from jax.experimental import pallas as pl
from jax.experimental.pallas import tpu as pltpu
from jax.experimental.pallas import tpu_sc as plsc

_B = 16384
_K = 16
_INFO = plsc.get_sparse_core_info()
_NC = _INFO.num_cores
_NS = _INFO.num_subcores
_NW = _NC * _NS
_BPW = _B // _NW
_NB = 8
_NPAIR = _BPW // (2 * _NB)

_mesh = plsc.VectorSubcoreMesh(core_axis_name="c", subcore_axis_name="s")


@functools.partial(
    pl.kernel,
    mesh=_mesh,
    compiler_params=pltpu.CompilerParams(
        needs_layout_passes=False, use_tc_tiling_on_sc=True),
    out_type=(
        jax.ShapeDtypeStruct((_B,), jnp.float32),
        jax.ShapeDtypeStruct((_NB, _K, 128), jnp.float32),
    ),
    scratch_types=[
        pltpu.VMEM((_BPW,), jnp.int32),
        pltpu.VMEM((_BPW,), jnp.int32),
        pltpu.VMEM((2, _NB, _K, 128), jnp.float32),
        pltpu.VMEM((2, _NB, _K, 128), jnp.float32),
        pltpu.VMEM((_BPW,), jnp.float32),
        pltpu.SemaphoreType.DMA,
        pltpu.SemaphoreType.DMA,
    ],
)
def _mf_dot(xt_hbm, wt_hbm, ht_hbm, out_hbm, dummy_hbm,
            ux_v, ix_v, wslab_v, hslab_v, o_v, sem0, sem1):
    wid = lax.axis_index("s") * _NC + lax.axis_index("c")
    base = wid * _BPW

    pltpu.sync_copy(xt_hbm.at[0, pl.ds(base, _BPW)], ux_v)
    pltpu.sync_copy(xt_hbm.at[1, pl.ds(base, _BPW)], ix_v)

    lanes = lax.iota(jnp.int32, 16)

    def fire(uvec, ivec, lane_off, par, sem):
        for j in range(_NB):
            u = uvec[lane_off + j]
            i = ivec[lane_off + j]
            uoff = pl.multiple_of((u >> 7) * 128, 128)
            ioff = pl.multiple_of((i >> 7) * 128, 128)
            pltpu.async_copy(
                wt_hbm.at[:, pl.ds(uoff, 128)], wslab_v.at[par, j], sem)
            pltpu.async_copy(
                ht_hbm.at[:, pl.ds(ioff, 128)], hslab_v.at[par, j], sem)

    def drain(par, sem):
        pltpu.make_async_copy(dummy_hbm, wslab_v.at[par], sem).wait()
        pltpu.make_async_copy(dummy_hbm, hslab_v.at[par], sem).wait()

    def reduce_group(uvec, ivec, lane_off, par, acc):
        for j in range(_NB):
            ucol = jnp.full((16,), uvec[lane_off + j] & 127, jnp.int32)
            icol = jnp.full((16,), ivec[lane_off + j] & 127, jnp.int32)
            jj = jnp.full((16,), j, jnp.int32)
            pp = jnp.full((16,), par, jnp.int32)
            wcol = plsc.load_gather(wslab_v, [pp, jj, lanes, ucol])
            hcol = plsc.load_gather(hslab_v, [pp, jj, lanes, icol])
            acc = jnp.where(lanes == lane_off + j, jnp.sum(wcol * hcol), acc)
        return acc

    uv0 = ux_v[pl.ds(0, 16)]
    iv0 = ix_v[pl.ds(0, 16)]
    fire(uv0, iv0, 0, 0, sem0)

    def body(p, carry):
        s = p * 16
        uvec = ux_v[pl.ds(s, 16)]
        ivec = ix_v[pl.ds(s, 16)]
        fire(uvec, ivec, _NB, 1, sem1)
        drain(0, sem0)
        acc = reduce_group(uvec, ivec, 0, 0, jnp.zeros((16,), jnp.float32))
        @pl.when(p + 1 < _NPAIR)
        def _():
            unext = ux_v[pl.ds(s + 16, 16)]
            inext = ix_v[pl.ds(s + 16, 16)]
            fire(unext, inext, 0, 0, sem0)
        drain(1, sem1)
        acc = reduce_group(uvec, ivec, _NB, 1, acc)
        o_v[pl.ds(s, 16)] = acc
        return carry

    lax.fori_loop(0, _NPAIR, body, 0)

    pltpu.sync_copy(o_v, out_hbm.at[pl.ds(base, _BPW)])


def kernel(x, W, H):
    out, _ = _mf_dot(x.astype(jnp.int32).T, W.T, H.T)
    return out

# --- scband reference (transcript-rebuilt; emitter-appended) ---
"""Pipeline reference for scband-mf-tdr-jl-9637906612429 (READ-ONLY COPY).

The authoritative reference and input builder live on the scoring server;
editing this copy changes nothing except your own understanding.
"""

import jax, jax.numpy as jnp
import numpy as np

NUM_USERS = 1000000
NUM_ITEMS = 1000000
EMBEDDING_K = 16
BATCH = 16384

def setup_inputs(seed: int = 0) -> dict:
    key = jax.random.key(seed)
    k1, k2, k3 = jax.random.split(key, 3)
    x = jax.random.randint(k1, (BATCH, 2), 0, NUM_USERS, dtype=jnp.int64) if jax.config.jax_enable_x64 else jax.random.randint(k1, (BATCH, 2), 0, NUM_USERS, dtype=jnp.int32)
    W = jax.random.normal(k2, (NUM_USERS, EMBEDDING_K), dtype=jnp.float32)
    H = jax.random.normal(k3, (NUM_ITEMS, EMBEDDING_K), dtype=jnp.float32)
    return {"x": x, "W": W, "H": H}

def reference(x, W, H):
    # MF_TDR_JL.prediction_model (MF_BaseModel) forward:
    # U_emb = self.W(user_idx); V_emb = self.H(item_idx); out = sum(U*V, dim=1)
    user_idx = x[:, 0]
    item_idx = x[:, 1]
    U_emb = jnp.take(W, user_idx, axis=0)
    V_emb = jnp.take(H, item_idx, axis=0)
    out = jnp.sum(U_emb * V_emb, axis=1)
    return out

if __name__ == "__main__":
    import jax
    _d = setup_inputs()
    print(jax.jit(kernel)(*tuple(_d.values())))

</pallas_src>

<mosaic_0001>
#map = affine_map<(d0, d1) -> (0, 0)>
#map1 = affine_map<(d0, d1) -> (0)>
#map2 = affine_map<(d0, d1) -> (0, 0, 0)>
module attributes {stable_mosaic.version = 14 : i64} {
  func.func @_mf_dot(%arg0: i32, %arg1: i32, %arg2: memref<2x16384xi32, #tpu.memory_space<hbm>>, %arg3: memref<16x1000000xf32, #tpu.memory_space<hbm>>, %arg4: memref<16x1000000xf32, #tpu.memory_space<hbm>>, %arg5: memref<16384xf32, #tpu.memory_space<hbm>>, %arg6: memref<8x16x128xf32, #tpu.memory_space<hbm>>, %arg7: memref<512xi32, #tpu.memory_space<vmem>>, %arg8: memref<512xi32, #tpu.memory_space<vmem>>, %arg9: memref<2x8x16x128xf32, #tpu.memory_space<vmem>>, %arg10: memref<2x8x16x128xf32, #tpu.memory_space<vmem>>, %arg11: memref<512xf32, #tpu.memory_space<vmem>>, %arg12: memref<!tpu.dma_semaphore, #tpu.memory_space<semaphore_mem>>, %arg13: memref<!tpu.dma_semaphore, #tpu.memory_space<semaphore_mem>>) attributes {dimension_semantics = [#tpu.dimension_semantics<core_parallel>, #tpu.dimension_semantics<subcore_parallel>], iteration_bounds = array<i64: 2, 16>, scalar_prefetch = 0 : i64, scratch_operands = 7 : i64, tpu.core_type = #tpu.core_type<sc_vector_subcore>, window_params = [{transform_indices = #map}, {transform_indices = #map}, {transform_indices = #map}, {transform_indices = #map1}, {transform_indices = #map2}]} {
    %mul3A = arith.constant 2 : i32
    %mul3A_0 = arith.muli %arg1, %mul3A : i32
    %add3A = arith.addi %mul3A_0, %arg0 : i32
    %mul3A_1 = arith.constant 512 : i32
    %mul3A_2 = arith.muli %add3A, %mul3A_1 : i32
    %run_scoped3A = arith.constant 0 : i32
    "tpu.region"() ({
      %run_scoped3A_343 = tpu.sem_alloc : memref<!tpu.dma_semaphore, #tpu.memory_space<semaphore_mem>>
      %dma_start3A_344 = tpu.memref_slice %arg2[%run_scoped3A, %mul3A_2] : memref<2x16384xi32, #tpu.memory_space<hbm>> -> memref<1x512xi32, #tpu.memory_space<hbm>>
      %dma_start3A_345 = tpu.memref_squeeze %dma_start3A_344 : memref<1x512xi32, #tpu.memory_space<hbm>> -> memref<512xi32, #tpu.memory_space<hbm>>
      %dma_start3A_346 = tpu.memref_slice %arg2[%run_scoped3A, %mul3A_2] : memref<2x16384xi32, #tpu.memory_space<hbm>> -> memref<1x512xi32, #tpu.memory_space<hbm>>
      %dma_start3A_347 = tpu.memref_squeeze %dma_start3A_346 : memref<1x512xi32, #tpu.memory_space<hbm>> -> memref<512xi32, #tpu.memory_space<hbm>>
      tpu.enqueue_dma source(%dma_start3A_347 : memref<512xi32, #tpu.memory_space<hbm>>) target(%arg7 : memref<512xi32, #tpu.memory_space<vmem>>) target_semaphore(%run_scoped3A_343 : memref<!tpu.dma_semaphore, #tpu.memory_space<semaphore_mem>>)
      %dma_wait3A = tpu.memref_slice %arg2[%run_scoped3A, %mul3A_2] : memref<2x16384xi32, #tpu.memory_space<hbm>> -> memref<1x512xi32, #tpu.memory_space<hbm>>
      %dma_wait3A_348 = tpu.memref_squeeze %dma_wait3A : memref<1x512xi32, #tpu.memory_space<hbm>> -> memref<512xi32, #tpu.memory_space<hbm>>
      %dma_wait3A_349 = tpu.memref_slice %arg2[%run_scoped3A, %mul3A_2] : memref<2x16384xi32, #tpu.memory_space<hbm>> -> memref<1x512xi32, #tpu.memory_space<hbm>>
      %dma_wait3A_350 = tpu.memref_squeeze %dma_wait3A_349 : memref<1x512xi32, #tpu.memory_space<hbm>> -> memref<512xi32, #tpu.memory_space<hbm>>
      tpu.wait_dma2 semaphore(%run_scoped3A_343 : memref<!tpu.dma_semaphore, #tpu.memory_space<semaphore_mem>>) src(%dma_wait3A_350 : memref<512xi32, #tpu.memory_space<hbm>>) dst(%arg7 : memref<512xi32, #tpu.memory_space<vmem>>)
      tpu.yield
    }) : () -> ()
    %run_scoped3A_3 = arith.constant 1 : i32
    "tpu.region"() ({
      %run_scoped3A_343 = tpu.sem_alloc : memref<!tpu.dma_semaphore, #tpu.memory_space<semaphore_mem>>
      %dma_start3A_344 = tpu.memref_slice %arg2[%run_scoped3A_3, %mul3A_2] : memref<2x16384xi32, #tpu.memory_space<hbm>> -> memref<1x512xi32, #tpu.memory_space<hbm>>
      %dma_start3A_345 = tpu.memref_squeeze %dma_start3A_344 : memref<1x512xi32, #tpu.memory_space<hbm>> -> memref<512xi32, #tpu.memory_space<hbm>>
      %dma_start3A_346 = tpu.memref_slice %arg2[%run_scoped3A_3, %mul3A_2] : memref<2x16384xi32, #tpu.memory_space<hbm>> -> memref<1x512xi32, #tpu.memory_space<hbm>>
      %dma_start3A_347 = tpu.memref_squeeze %dma_start3A_346 : memref<1x512xi32, #tpu.memory_space<hbm>> -> memref<512xi32, #tpu.memory_space<hbm>>
      tpu.enqueue_dma source(%dma_start3A_347 : memref<512xi32, #tpu.memory_space<hbm>>) target(%arg8 : memref<512xi32, #tpu.memory_space<vmem>>) target_semaphore(%run_scoped3A_343 : memref<!tpu.dma_semaphore, #tpu.memory_space<semaphore_mem>>)
      %dma_wait3A = tpu.memref_slice %arg2[%run_scoped3A_3, %mul3A_2] : memref<2x16384xi32, #tpu.memory_space<hbm>> -> memref<1x512xi32, #tpu.memory_space<hbm>>
      %dma_wait3A_348 = tpu.memref_squeeze %dma_wait3A : memref<1x512xi32, #tpu.memory_space<hbm>> -> memref<512xi32, #tpu.memory_space<hbm>>
      %dma_wait3A_349 = tpu.memref_slice %arg2[%run_scoped3A_3, %mul3A_2] : memref<2x16384xi32, #tpu.memory_space<hbm>> -> memref<1x512xi32, #tpu.memory_space<hbm>>
      %dma_wait3A_350 = tpu.memref_squeeze %dma_wait3A_349 : memref<1x512xi32, #tpu.memory_space<hbm>> -> memref<512xi32, #tpu.memory_space<hbm>>
      tpu.wait_dma2 semaphore(%run_scoped3A_343 : memref<!tpu.dma_semaphore, #tpu.memory_space<semaphore_mem>>) src(%dma_wait3A_350 : memref<512xi32, #tpu.memory_space<hbm>>) dst(%arg8 : memref<512xi32, #tpu.memory_space<vmem>>)
      tpu.yield
    }) : () -> ()
    %iota3A = tpu.iota {dimensions = array<i32: 0>} : vector<16xi32>
    %get3A = arith.constant 0 : index
    %get3A_4 = tpu.vector_load %arg7[%get3A] {strides = array<i32>} : memref<512xi32, #tpu.memory_space<vmem>>, vector<16xi32>,
    %get3A_5 = arith.constant 0 : index
    %get3A_6 = tpu.vector_load %arg8[%get3A_5] {strides = array<i32>} : memref<512xi32, #tpu.memory_space<vmem>>, vector<16xi32>,
    %slice3A = vector.extract_strided_slice %get3A_4 {offsets = [0], sizes = [1], strides = [1]} : vector<16xi32> to vector<1xi32>
    %squeeze3A = vector.extract %slice3A[0] : i32 from vector<1xi32>
    %slice3A_7 = vector.extract_strided_slice %get3A_6 {offsets = [0], sizes = [1], strides = [1]} : vector<16xi32> to vector<1xi32>
    %squeeze3A_8 = vector.extract %slice3A_7[0] : i32 from vector<1xi32>
    %shift_right_arithmetic3A = arith.constant 7 : i32
    %shift_right_arithmetic3A_9 = arith.shrsi %squeeze3A, %shift_right_arithmetic3A : i32
    %mul3A_10 = arith.constant 128 : i32
    %mul3A_11 = arith.muli %shift_right_arithmetic3A_9, %mul3A_10 : i32
    %multiple_of3A = tpu.assume_multiple %mul3A_11, 128 : i32
    %shift_right_arithmetic3A_12 = arith.constant 7 : i32
    %shift_right_arithmetic3A_13 = arith.shrsi %squeeze3A_8, %shift_right_arithmetic3A_12 : i32
    %mul3A_14 = arith.constant 128 : i32
    %mul3A_15 = arith.muli %shift_right_arithmetic3A_13, %mul3A_14 : i32
    %multiple_of3A_16 = tpu.assume_multiple %mul3A_15, 128 : i32
    %dma_start3A = arith.constant 0 : i32
    %dma_start3A_17 = arith.constant 0 : i32
    %dma_start3A_18 = arith.constant 0 : i32
    %dma_start3A_19 = arith.constant 0 : i32
    %dma_start3A_20 = tpu.memref_slice %arg9[%dma_start3A, %dma_start3A_17, %dma_start3A_18, %dma_start3A_19] : memref<2x8x16x128xf32, #tpu.memory_space<vmem>> -> memref<1x1x16x128xf32, #tpu.memory_space<vmem>>
    %dma_start3A_21 = tpu.memref_squeeze %dma_start3A_20 : memref<1x1x16x128xf32, #tpu.memory_space<vmem>> -> memref<16x128xf32, #tpu.memory_space<vmem>>
    %dma_start3A_22 = arith.constant 0 : i32
    %dma_start3A_23 = tpu.memref_slice %arg3[%dma_start3A_22, %multiple_of3A] : memref<16x1000000xf32, #tpu.memory_space<hbm>> -> memref<16x128xf32, #tpu.memory_space<hbm>>
    %dma_start3A_24 = arith.constant 0 : i32
    %dma_start3A_25 = arith.constant 0 : i32
    %dma_start3A_26 = tpu.memref_slice %arg9[%dma_start3A, %dma_start3A_17, %dma_start3A_24, %dma_start3A_25] : memref<2x8x16x128xf32, #tpu.memory_space<vmem>> -> memref<1x1x16x128xf32, #tpu.memory_space<vmem>>
    %dma_start3A_27 = tpu.memref_squeeze %dma_start3A_26 : memref<1x1x16x128xf32, #tpu.memory_space<vmem>> -> memref<16x128xf32, #tpu.memory_space<vmem>>
    %dma_start3A_28 = arith.constant 0 : i32
    %dma_start3A_29 = tpu.memref_slice %arg3[%dma_start3A_28, %multiple_of3A] : memref<16x1000000xf32, #tpu.memory_space<hbm>> -> memref<16x128xf32, #tpu.memory_space<hbm>>
    tpu.enqueue_dma source(%dma_start3A_29 : memref<16x128xf32, #tpu.memory_space<hbm>>) target(%dma_start3A_27 : memref<16x128xf32, #tpu.memory_space<vmem>>) target_semaphore(%arg12 : memref<!tpu.dma_semaphore, #tpu.memory_space<semaphore_mem>>)
    %dma_start3A_30 = arith.constant 0 : i32
    %dma_start3A_31 = arith.constant 0 : i32
    %dma_start3A_32 = arith.constant 0 : i32
    %dma_start3A_33 = arith.constant 0 : i32
    %dma_start3A_34 = tpu.memref_slice %arg10[%dma_start3A_30, %dma_start3A_31, %dma_start3A_32, %dma_start3A_33] : memref<2x8x16x128xf32, #tpu.memory_space<vmem>> -> memref<1x1x16x128xf32, #tpu.memory_space<vmem>>
    %dma_start3A_35 = tpu.memref_squeeze %dma_start3A_34 : memref<1x1x16x128xf32, #tpu.memory_space<vmem>> -> memref<16x128xf32, #tpu.memory_space<vmem>>
    %dma_start3A_36 = arith.constant 0 : i32
    %dma_start3A_37 = tpu.memref_slice %arg4[%dma_start3A_36, %multiple_of3A_16] : memref<16x1000000xf32, #tpu.memory_space<hbm>> -> memref<16x128xf32, #tpu.memory_space<hbm>>
    %dma_start3A_38 = arith.constant 0 : i32
    %dma_start3A_39 = arith.constant 0 : i32
    %dma_start3A_40 = tpu.memref_slice %arg10[%dma_start3A_30, %dma_start3A_31, %dma_start3A_38, %dma_start3A_39] : memref<2x8x16x128xf32, #tpu.memory_space<vmem>> -> memref<1x1x16x128xf32, #tpu.memory_space<vmem>>
    %dma_start3A_41 = tpu.memref_squeeze %dma_start3A_40 : memref<1x1x16x128xf32, #tpu.memory_space<vmem>> -> memref<16x128xf32, #tpu.memory_space<vmem>>
    %dma_start3A_42 = arith.constant 0 : i32
    %dma_start3A_43 = tpu.memref_slice %arg4[%dma_start3A_42, %multiple_of3A_16] : memref<16x1000000xf32, #tpu.memory_space<hbm>> -> memref<16x128xf32, #tpu.memory_space<hbm>>
    tpu.enqueue_dma source(%dma_start3A_43 : memref<16x128xf32, #tpu.memory_space<hbm>>) target(%dma_start3A_41 : memref<16x128xf32, #tpu.memory_space<vmem>>) target_semaphore(%arg12 : memref<!tpu.dma_semaphore, #tpu.memory_space<semaphore_mem>>)
    %slice3A_44 = vector.extract_strided_slice %get3A_4 {offsets = [1], sizes = [1], strides = [1]} : vector<16xi32> to vector<1xi32>
    %squeeze3A_45 = vector.extract %slice3A_44[0] : i32 from vector<1xi32>
    %slice3A_46 = vector.extract_strided_slice %get3A_6 {offsets = [1], sizes = [1], strides = [1]} : vector<16xi32> to vector<1xi32>
    %squeeze3A_47 = vector.extract %slice3A_46[0] : i32 from vector<1xi32>
    %shift_right_arithmetic3A_48 = arith.constant 7 : i32
    %shift_right_arithmetic3A_49 = arith.shrsi %squeeze3A_45, %shift_right_arithmetic3A_48 : i32
    %mul3A_50 = arith.constant 128 : i32
    %mul3A_51 = arith.muli %shift_right_arithmetic3A_49, %mul3A_50 : i32
    %multiple_of3A_52 = tpu.assume_multiple %mul3A_51, 128 : i32
    %shift_right_arithmetic3A_53 = arith.constant 7 : i32
    %shift_right_arithmetic3A_54 = arith.shrsi %squeeze3A_47, %shift_right_arithmetic3A_53 : i32
    %mul3A_55 = arith.constant 128 : i32
    %mul3A_56 = arith.muli %shift_right_arithmetic3A_54, %mul3A_55 : i32
    %multiple_of3A_57 = tpu.assume_multiple %mul3A_56, 128 : i32
    %dma_start3A_58 = arith.constant 0 : i32
    %dma_start3A_59 = arith.constant 1 : i32
    %dma_start3A_60 = arith.constant 0 : i32
    %dma_start3A_61 = arith.constant 0 : i32
    %dma_start3A_62 = tpu.memref_slice %arg9[%dma_start3A_58, %dma_start3A_59, %dma_start3A_60, %dma_start3A_61] : memref<2x8x16x128xf32, #tpu.memory_space<vmem>> -> memref<1x1x16x128xf32, #tpu.memory_space<vmem>>
    %dma_start3A_63 = tpu.memref_squeeze %dma_start3A_62 : memref<1x1x16x128xf32, #tpu.memory_space<vmem>> -> memref<16x128xf32, #tpu.memory_space<vmem>>
    %dma_start3A_64 = arith.constant 0 : i32
    %dma_start3A_65 = tpu.memref_slice %arg3[%dma_start3A_64, %multiple_of3A_52] : memref<16x1000000xf32, #tpu.memory_space<hbm>> -> memref<16x128xf32, #tpu.memory_space<hbm>>
    %dma_start3A_66 = arith.constant 0 : i32
    %dma_start3A_67 = arith.constant 0 : i32
    %dma_start3A_68 = tpu.memref_slice %arg9[%dma_start3A_58, %dma_start3A_59, %dma_start3A_66, %dma_start3A_67] : memref<2x8x16x128xf32, #tpu.memory_space<vmem>> -> memref<1x1x16x128xf32, #tpu.memory_space<vmem>>
    %dma_start3A_69 = tpu.memref_squeeze %dma_start3A_68 : memref<1x1x16x128xf32, #tpu.memory_space<vmem>> -> memref<16x128xf32, #tpu.memory_space<vmem>>
    %dma_start3A_70 = arith.constant 0 : i32
    %dma_start3A_71 = tpu.memref_slice %arg3[%dma_start3A_70, %multiple_of3A_52] : memref<16x1000000xf32, #tpu.memory_space<hbm>> -> memref<16x128xf32, #tpu.memory_space<hbm>>
    tpu.enqueue_dma source(%dma_start3A_71 : memref<16x128xf32, #tpu.memory_space<hbm>>) target(%dma_start3A_69 : memref<16x128xf32, #tpu.memory_space<vmem>>) target_semaphore(%arg12 : memref<!tpu.dma_semaphore, #tpu.memory_space<semaphore_mem>>)
    %dma_start3A_72 = arith.constant 0 : i32
    %dma_start3A_73 = arith.constant 1 : i32
    %dma_start3A_74 = arith.constant 0 : i32
    %dma_start3A_75 = arith.constant 0 : i32
    %dma_start3A_76 = tpu.memref_slice %arg10[%dma_start3A_72, %dma_start3A_73, %dma_start3A_74, %dma_start3A_75] : memref<2x8x16x128xf32, #tpu.memory_space<vmem>> -> memref<1x1x16x128xf32, #tpu.memory_space<vmem>>
    %dma_start3A_77 = tpu.memref_squeeze %dma_start3A_76 : memref<1x1x16x128xf32, #tpu.memory_space<vmem>> -> memref<16x128xf32, #tpu.memory_space<vmem>>
    %dma_start3A_78 = arith.constant 0 : i32
    %dma_start3A_79 = tpu.memref_slice %arg4[%dma_start3A_78, %multiple_of3A_57] : memref<16x1000000xf32, #tpu.memory_space<hbm>> -> memref<16x128xf32, #tpu.memory_space<hbm>>
    %dma_start3A_80 = arith.constant 0 : i32
    %dma_start3A_81 = arith.constant 0 : i32
    %dma_start3A_82 = tpu.memref_slice %arg10[%dma_start3A_72, %dma_start3A_73, %dma_start3A_80, %dma_start3A_81] : memref<2x8x16x128xf32, #tpu.memory_space<vmem>> -> memref<1x1x16x128xf32, #tpu.memory_space<vmem>>
    %dma_start3A_83 = tpu.memref_squeeze %dma_start3A_82 : memref<1x1x16x128xf32, #tpu.memory_space<vmem>> -> memref<16x128xf32, #tpu.memory_space<vmem>>
    %dma_start3A_84 = arith.constant 0 : i32
    %dma_start3A_85 = tpu.memref_slice %arg4[%dma_start3A_84, %multiple_of3A_57] : memref<16x1000000xf32, #tpu.memory_space<hbm>> -> memref<16x128xf32, #tpu.memory_space<hbm>>
    tpu.enqueue_dma source(%dma_start3A_85 : memref<16x128xf32, #tpu.memory_space<hbm>>) target(%dma_start3A_83 : memref<16x128xf32, #tpu.memory_space<vmem>>) target_semaphore(%arg12 : memref<!tpu.dma_semaphore, #tpu.memory_space<semaphore_mem>>)
    %slice3A_86 = vector.extract_strided_slice %get3A_4 {offsets = [2], sizes = [1], strides = [1]} : vector<16xi32> to vector<1xi32>
    %squeeze3A_87 = vector.extract %slice3A_86[0] : i32 from vector<1xi32>
    %slice3A_88 = vector.extract_strided_slice %get3A_6 {offsets = [2], sizes = [1], strides = [1]} : vector<16xi32> to vector<1xi32>
    %squeeze3A_89 = vector.extract %slice3A_88[0] : i32 from vector<1xi32>
    %shift_right_arithmetic3A_90 = arith.constant 7 : i32
    %shift_right_arithmetic3A_91 = arith.shrsi %squeeze3A_87, %shift_right_arithmetic3A_90 : i32
    %mul3A_92 = arith.constant 128 : i32
    %mul3A_93 = arith.muli %shift_right_arithmetic3A_91, %mul3A_92 : i32
    %multiple_of3A_94 = tpu.assume_multiple %mul3A_93, 128 : i32
    %shift_right_arithmetic3A_95 = arith.constant 7 : i32
    %shift_right_arithmetic3A_96 = arith.shrsi %squeeze3A_89, %shift_right_arithmetic3A_95 : i32
    %mul3A_97 = arith.constant 128 : i32
    %mul3A_98 = arith.muli %shift_right_arithmetic3A_96, %mul3A_97 : i32
    %multiple_of3A_99 = tpu.assume_multiple %mul3A_98, 128 : i32
    %dma_start3A_100 = arith.constant 0 : i32
    %dma_start3A_101 = arith.constant 2 : i32
    %dma_start3A_102 = arith.constant 0 : i32
    %dma_start3A_103 = arith.constant 0 : i32
    %dma_start3A_104 = tpu.memref_slice %arg9[%dma_start3A_100, %dma_start3A_101, %dma_start3A_102, %dma_start3A_103] : memref<2x8x16x128xf32, #tpu.memory_space<vmem>> -> memref<1x1x16x128xf32, #tpu.memory_space<vmem>>
    %dma_start3A_105 = tpu.memref_squeeze %dma_start3A_104 : memref<1x1x16x128xf32, #tpu.memory_space<vmem>> -> memref<16x128xf32, #tpu.memory_space<vmem>>
    %dma_start3A_106 = arith.constant 0 : i32
    %dma_start3A_107 = tpu.memref_slice %arg3[%dma_start3A_106, %multiple_of3A_94] : memref<16x1000000xf32, #tpu.memory_space<hbm>> -> memref<16x128xf32, #tpu.memory_space<hbm>>
    %dma_start3A_108 = arith.constant 0 : i32
    %dma_start3A_109 = arith.constant 0 : i32
    %dma_start3A_110 = tpu.memref_slice %arg9[%dma_start3A_100, %dma_start3A_101, %dma_start3A_108, %dma_start3A_109] : memref<2x8x16x128xf32, #tpu.memory_space<vmem>> -> memref<1x1x16x128xf32, #tpu.memory_space<vmem>>
    %dma_start3A_111 = tpu.memref_squeeze %dma_start3A_110 : memref<1x1x16x128xf32, #tpu.memory_space<vmem>> -> memref<16x128xf32, #tpu.memory_space<vmem>>
    %dma_start3A_112 = arith.constant 0 : i32
    %dma_start3A_113 = tpu.memref_slice %arg3[%dma_start3A_112, %multiple_of3A_94] : memref<16x1000000xf32, #tpu.memory_space<hbm>> -> memref<16x128xf32, #tpu.memory_space<hbm>>
    tpu.enqueue_dma source(%dma_start3A_113 : memref<16x128xf32, #tpu.memory_space<hbm>>) target(%dma_start3A_111 : memref<16x128xf32, #tpu.memory_space<vmem>>) target_semaphore(%arg12 : memref<!tpu.dma_semaphore, #tpu.memory_space<semaphore_mem>>)
    %dma_start3A_114 = arith.constant 0 : i32
    %dma_start3A_115 = arith.constant 2 : i32
    %dma_start3A_116 = arith.constant 0 : i32
    %dma_start3A_117 = arith.constant 0 : i32
    %dma_start3A_118 = tpu.memref_slice %arg10[%dma_start3A_114, %dma_start3A_115, %dma_start3A_116, %dma_start3A_117] : memref<2x8x16x128xf32, #tpu.memory_space<vmem>> -> memref<1x1x16x128xf32, #tpu.memory_space<vmem>>
    %dma_start3A_119 = tpu.memref_squeeze %dma_start3A_118 : memref<1x1x16x128xf32, #tpu.memory_space<vmem>> -> memref<16x128xf32, #tpu.memory_space<vmem>>
    %dma_start3A_120 = arith.constant 0 : i32
    %dma_start3A_121 = tpu.memref_slice %arg4[%dma_start3A_120, %multiple_of3A_99] : memref<16x1000000xf32, #tpu.memory_space<hbm>> -> memref<16x128xf32, #tpu.memory_space<hbm>>
    %dma_start3A_122 = arith.constant 0 : i32
    %dma_start3A_123 = arith.constant 0 : i32
    %dma_start3A_124 = tpu.memref_slice %arg10[%dma_start3A_114, %dma_start3A_115, %dma_start3A_122, %dma_start3A_123] : memref<2x8x16x128xf32, #tpu.memory_space<vmem>> -> memref<1x1x16x128xf32, #tpu.memory_space<vmem>>
    %dma_start3A_125 = tpu.memref_squeeze %dma_start3A_124 : memref<1x1x16x128xf32, #tpu.memory_space<vmem>> -> memref<16x128xf32, #tpu.memory_space<vmem>>
    %dma_start3A_126 = arith.constant 0 : i32
    %dma_start3A_127 = tpu.memref_slice %arg4[%dma_start3A_126, %multiple_of3A_99] : memref<16x1000000xf32, #tpu.memory_space<hbm>> -> memref<16x128xf32, #tpu.memory_space<hbm>>
    tpu.enqueue_dma source(%dma_start3A_127 : memref<16x128xf32, #tpu.memory_space<hbm>>) target(%dma_start3A_125 : memref<16x128xf32, #tpu.memory_space<vmem>>) target_semaphore(%arg12 : memref<!tpu.dma_semaphore, #tpu.memory_space<semaphore_mem>>)
    %slice3A_128 = vector.extract_strided_slice %get3A_4 {offsets = [3], sizes = [1], strides = [1]} : vector<16xi32> to vector<1xi32>
    %squeeze3A_129 = vector.extract %slice3A_128[0] : i32 from vector<1xi32>
    %slice3A_130 = vector.extract_strided_slice %get3A_6 {offsets = [3], sizes = [1], strides = [1]} : vector<16xi32> to vector<1xi32>
    %squeeze3A_131 = vector.extract %slice3A_130[0] : i32 from vector<1xi32>
    %shift_right_arithmetic3A_132 = arith.constant 7 : i32
    %shift_right_arithmetic3A_133 = arith.shrsi %squeeze3A_129, %shift_right_arithmetic3A_132 : i32
    %mul3A_134 = arith.constant 128 : i32
    %mul3A_135 = arith.muli %shift_right_arithmetic3A_133, %mul3A_134 : i32
    %multiple_of3A_136 = tpu.assume_multiple %mul3A_135, 128 : i32
    %shift_right_arithmetic3A_137 = arith.constant 7 : i32
    %shift_right_arithmetic3A_138 = arith.shrsi %squeeze3A_131, %shift_right_arithmetic3A_137 : i32
    %mul3A_139 = arith.constant 128 : i32
    %mul3A_140 = arith.muli %shift_right_arithmetic3A_138, %mul3A_139 : i32
    %multiple_of3A_141 = tpu.assume_multiple %mul3A_140, 128 : i32
    %dma_start3A_142 = arith.constant 0 : i32
    %dma_start3A_143 = arith.constant 3 : i32
    %dma_start3A_144 = arith.constant 0 : i32
    %dma_start3A_145 = arith.constant 0 : i32
    %dma_start3A_146 = tpu.memref_slice %arg9[%dma_start3A_142, %dma_start3A_143, %dma_start3A_144, %dma_start3A_145] : memref<2x8x16x128xf32, #tpu.memory_space<vmem>> -> memref<1x1x16x128xf32, #tpu.memory_space<vmem>>
    %dma_start3A_147 = tpu.memref_squeeze %dma_start3A_146 : memref<1x1x16x128xf32, #tpu.memory_space<vmem>> -> memref<16x128xf32, #tpu.memory_space<vmem>>
    %dma_start3A_148 = arith.constant 0 : i32
    %dma_start3A_149 = tpu.memref_slice %arg3[%dma_start3A_148, %multiple_of3A_136] : memref<16x1000000xf32, #tpu.memory_space<hbm>> -> memref<16x128xf32, #tpu.memory_space<hbm>>
    %dma_start3A_150 = arith.constant 0 : i32
    %dma_start3A_151 = arith.constant 0 : i32
    %dma_start3A_152 = tpu.memref_slice %arg9[%dma_start3A_142, %dma_start3A_143, %dma_start3A_150, %dma_start3A_151] : memref<2x8x16x128xf32, #tpu.memory_space<vmem>> -> memref<1x1x16x128xf32, #tpu.memory_space<vmem>>
    %dma_start3A_153 = tpu.memref_squeeze %dma_start3A_152 : memref<1x1x16x128xf32, #tpu.memory_space<vmem>> -> memref<16x128xf32, #tpu.memory_space<vmem>>
    %dma_start3A_154 = arith.constant 0 : i32
    %dma_start3A_155 = tpu.memref_slice %arg3[%dma_start3A_154, %multiple_of3A_136] : memref<16x1000000xf32, #tpu.memory_space<hbm>> -> memref<16x128xf32, #tpu.memory_space<hbm>>
    tpu.enqueue_dma source(%dma_start3A_155 : memref<16x128xf32, #tpu.memory_space<hbm>>) target(%dma_start3A_153 : memref<16x128xf32, #tpu.memory_space<vmem>>) target_semaphore(%arg12 : memref<!tpu.dma_semaphore, #tpu.memory_space<semaphore_mem>>)
    %dma_start3A_156 = arith.constant 0 : i32
    %dma_start3A_157 = arith.constant 3 : i32
    %dma_start3A_158 = arith.constant 0 : i32
    %dma_start3A_159 = arith.constant 0 : i32
    %dma_start3A_160 = tpu.memref_slice %arg10[%dma_start3A_156, %dma_start3A_157, %dma_start3A_158, %dma_start3A_159] : memref<2x8x16x128xf32, #tpu.memory_space<vmem>> -> memref<1x1x16x128xf32, #tpu.memory_space<vmem>>
    %dma_start3A_161 = tpu.memref_squeeze %dma_start3A_160 : memref<1x1x16x128xf32, #tpu.memory_space<vmem>> -> memref<16x128xf32, #tpu.memory_space<vmem>>
    %dma_start3A_162 = arith.constant 0 : i32
    %dma_start3A_163 = tpu.memref_slice %arg4[%dma_start3A_162, %multiple_of3A_141] : memref<16x1000000xf32, #tpu.memory_space<hbm>> -> memref<16x128xf32, #tpu.memory_space<hbm>>
    %dma_start3A_164 = arith.constant 0 : i32
    %dma_start3A_165 = arith.constant 0 : i32
    %dma_start3A_166 = tpu.memref_slice %arg10[%dma_start3A_156, %dma_start3A_157, %dma_start3A_164, %dma_start3A_165] : memref<2x8x16x128xf32, #tpu.memory_space<vmem>> -> memref<1x1x16x128xf32, #tpu.memory_space<vmem>>
    %dma_start3A_167 = tpu.memref_squeeze %dma_start3A_166 : memref<1x1x16x128xf32, #tpu.memory_space<vmem>> -> memref<16x128xf32, #tpu.memory_space<vmem>>
    %dma_start3A_168 = arith.constant 0 : i32
    %dma_start3A_169 = tpu.memref_slice %arg4[%dma_start3A_168, %multiple_of3A_141] : memref<16x1000000xf32, #tpu.memory_space<hbm>> -> memref<16x128xf32, #tpu.memory_space<hbm>>
    tpu.enqueue_dma source(%dma_start3A_169 : memref<16x128xf32, #tpu.memory_space<hbm>>) target(%dma_start3A_167 : memref<16x128xf32, #tpu.memory_space<vmem>>) target_semaphore(%arg12 : memref<!tpu.dma_semaphore, #tpu.memory_space<semaphore_mem>>)
    %slice3A_170 = vector.extract_strided_slice %get3A_4 {offsets = [4], sizes = [1], strides = [1]} : vector<16xi32> to vector<1xi32>
    %squeeze3A_171 = vector.extract %slice3A_170[0] : i32 from vector<1xi32>
    %slice3A_172 = vector.extract_strided_slice %get3A_6 {offsets = [4], sizes = [1], strides = [1]} : vector<16xi32> to vector<1xi32>
    %squeeze3A_173 = vector.extract %slice3A_172[0] : i32 from vector<1xi32>
    %shift_right_arithmetic3A_174 = arith.constant 7 : i32
    %shift_right_arithmetic3A_175 = arith.shrsi %squeeze3A_171, %shift_right_arithmetic3A_174 : i32
    %mul3A_176 = arith.constant 128 : i32
    %mul3A_177 = arith.muli %shift_right_arithmetic3A_175, %mul3A_176 : i32
    %multiple_of3A_178 = tpu.assume_multiple %mul3A_177, 128 : i32
    %shift_right_arithmetic3A_179 = arith.constant 7 : i32
    %shift_right_arithmetic3A_180 = arith.shrsi %squeeze3A_173, %shift_right_arithmetic3A_179 : i32
    %mul3A_181 = arith.constant 128 : i32
    %mul3A_182 = arith.muli %shift_right_arithmetic3A_180, %mul3A_181 : i32
    %multiple_of3A_183 = tpu.assume_multiple %mul3A_182, 128 : i32
    %dma_start3A_184 = arith.constant 0 : i32
    %dma_start3A_185 = arith.constant 4 : i32
    %dma_start3A_186 = arith.constant 0 : i32
    %dma_start3A_187 = arith.constant 0 : i32
    %dma_start3A_188 = tpu.memref_slice %arg9[%dma_start3A_184, %dma_start3A_185, %dma_start3A_186, %dma_start3A_187] : memref<2x8x16x128xf32, #tpu.memory_space<vmem>> -> memref<1x1x16x128xf32, #tpu.memory_space<vmem>>
    %dma_start3A_189 = tpu.memref_squeeze %dma_start3A_188 : memref<1x1x16x128xf32, #tpu.memory_space<vmem>> -> memref<16x128xf32, #tpu.memory_space<vmem>>
    %dma_start3A_190 = arith.constant 0 : i32
    %dma_start3A_191 = tpu.memref_slice %arg3[%dma_start3A_190, %multiple_of3A_178] : memref<16x1000000xf32, #tpu.memory_space<hbm>> -> memref<16x128xf32, #tpu.memory_space<hbm>>
    %dma_start3A_192 = arith.constant 0 : i32
    %dma_start3A_193 = arith.constant 0 : i32
    %dma_start3A_194 = tpu.memref_slice %arg9[%dma_start3A_184, %dma_start3A_185, %dma_start3A_192, %dma_start3A_193] : memref<2x8x16x128xf32, #tpu.memory_space<vmem>> -> memref<1x1x16x128xf32, #tpu.memory_space<vmem>>
    %dma_start3A_195 = tpu.memref_squeeze %dma_start3A_194 : memref<1x1x16x128xf32, #tpu.memory_space<vmem>> -> memref<16x128xf32, #tpu.memory_space<vmem>>
    %dma_start3A_196 = arith.constant 0 : i32
    %dma_start3A_197 = tpu.memref_slice %arg3[%dma_start3A_196, %multiple_of3A_178] : memref<16x1000000xf32, #tpu.memory_space<hbm>> -> memref<16x128xf32, #tpu.memory_space<hbm>>
    tpu.enqueue_dma source(%dma_start3A_197 : memref<16x128xf32, #tpu.memory_space<hbm>>) target(%dma_start3A_195 : memref<16x128xf32, #tpu.memory_space<vmem>>) target_semaphore(%arg12 : memref<!tpu.dma_semaphore, #tpu.memory_space<semaphore_mem>>)
    %dma_start3A_198 = arith.constant 0 : i32
    %dma_start3A_199 = arith.constant 4 : i32
    %dma_start3A_200 = arith.constant 0 : i32
    %dma_start3A_201 = arith.constant 0 : i32
    %dma_start3A_202 = tpu.memref_slice %arg10[%dma_start3A_198, %dma_start3A_199, %dma_start3A_200, %dma_start3A_201] : memref<2x8x16x128xf32, #tpu.memory_space<vmem>> -> memref<1x1x16x128xf32, #tpu.memory_space<vmem>>
    %dma_start3A_203 = tpu.memref_squeeze %dma_start3A_202 : memref<1x1x16x128xf32, #tpu.memory_space<vmem>> -> memref<16x128xf32, #tpu.memory_space<vmem>>
    %dma_start3A_204 = arith.constant 0 : i32
    %dma_start3A_205 = tpu.memref_slice %arg4[%dma_start3A_204, %multiple_of3A_183] : memref<16x1000000xf32, #tpu.memory_space<hbm>> -> memref<16x128xf32, #tpu.memory_space<hbm>>
    %dma_start3A_206 = arith.constant 0 : i32
    %dma_start3A_207 = arith.constant 0 : i32
    %dma_start3A_208 = tpu.memref_slice %arg10[%dma_start3A_198, %dma_start3A_199, %dma_start3A_206, %dma_start3A_207] : memref<2x8x16x128xf32, #tpu.memory_space<vmem>> -> memref<1x1x16x128xf32, #tpu.memory_space<vmem>>
    %dma_start3A_209 = tpu.memref_squeeze %dma_start3A_208 : memref<1x1x16x128xf32, #tpu.memory_space<vmem>> -> memref<16x128xf32, #tpu.memory_space<vmem>>
    %dma_start3A_210 = arith.constant 0 : i32
    %dma_start3A_211 = tpu.memref_slice %arg4[%dma_start3A_210, %multiple_of3A_183] : memref<16x1000000xf32, #tpu.memory_space<hbm>> -> memref<16x128xf32, #tpu.memory_space<hbm>>
    tpu.enqueue_dma source(%dma_start3A_211 : memref<16x128xf32, #tpu.memory_space<hbm>>) target(%dma_start3A_209 : memref<16x128xf32, #tpu.memory_space<vmem>>) target_semaphore(%arg12 : memref<!tpu.dma_semaphore, #tpu.memory_space<semaphore_mem>>)
    %slice3A_212 = vector.extract_strided_slice %get3A_4 {offsets = [5], sizes = [1], strides = [1]} : vector<16xi32> to vector<1xi32>
    %squeeze3A_213 = vector.extract %slice3A_212[0] : i32 from vector<1xi32>
    %slice3A_214 = vector.extract_strided_slice %get3A_6 {offsets = [5], sizes = [1], strides = [1]} : vector<16xi32> to vector<1xi32>
    %squeeze3A_215 = vector.extract %slice3A_214[0] : i32 from vector<1xi32>
    %shift_right_arithmetic3A_216 = arith.constant 7 : i32
    %shift_right_arithmetic3A_217 = arith.shrsi %squeeze3A_213, %shift_right_arithmetic3A_216 : i32
    %mul3A_218 = arith.constant 128 : i32
    %mul3A_219 = arith.muli %shift_right_arithmetic3A_217, %mul3A_218 : i32
    %multiple_of3A_220 = tpu.assume_multiple %mul3A_219, 128 : i32
    %shift_right_arithmetic3A_221 = arith.constant 7 : i32
    %shift_right_arithmetic3A_222 = arith.shrsi %squeeze3A_215, %shift_right_arithmetic3A_221 : i32
    %mul3A_223 = arith.constant 128 : i32
    %mul3A_224 = arith.muli %shift_right_arithmetic3A_222, %mul3A_223 : i32
    %multiple_of3A_225 = tpu.assume_multiple %mul3A_224, 128 : i32
    %dma_start3A_226 = arith.constant 0 : i32
    %dma_start3A_227 = arith.constant 5 : i32
    %dma_start3A_228 = arith.constant 0 : i32
    %dma_start3A_229 = arith.constant 0 : i32
    %dma_start3A_230 = tpu.memref_slice %arg9[%dma_start3A_226, %dma_start3A_227, %dma_start3A_228, %dma_start3A_229] : memref<2x8x16x128xf32, #tpu.memory_space<vmem>> -> memref<1x1x16x128xf32, #tpu.memory_space<vmem>>
    %dma_start3A_231 = tpu.memref_squeeze %dma_start3A_230 : memref<1x1x16x128xf32, #tpu.memory_space<vmem>> -> memref<16x128xf32, #tpu.memory_space<vmem>>
    %dma_start3A_232 = arith.constant 0 : i32
    %dma_start3A_233 = tpu.memref_slice %arg3[%dma_start3A_232, %multiple_of3A_220] : memref<16x1000000xf32, #tpu.memory_space<hbm>> -> memref<16x128xf32, #tpu.memory_space<hbm>>
    %dma_start3A_234 = arith.constant 0 : i32
    %dma_start3A_235 = arith.constant 0 : i32
    %dma_start3A_236 = tpu.memref_slice %arg9[%dma_start3A_226, %dma_start3A_227, %dma_start3A_234, %dma_start3A_235] : memref<2x8x16x128xf32, #tpu.memory_space<vmem>> -> memref<1x1x16x128xf32, #tpu.memory_space<vmem>>
    %dma_start3A_237 = tpu.memref_squeeze %dma_start3A_236 : memref<1x1x16x128xf32, #tpu.memory_space<vmem>> -> memref<16x128xf32, #tpu.memory_space<vmem>>
    %dma_start3A_238 = arith.constant 0 : i32
    %dma_start3A_239 = tpu.memref_slice %arg3[%dma_start3A_238, %multiple_of3A_220] : memref<16x1000000xf32, #tpu.memory_space<hbm>> -> memref<16x128xf32, #tpu.memory_space<hbm>>
    tpu.enqueue_dma source(%dma_start3A_239 : memref<16x128xf32, #tpu.memory_space<hbm>>) target(%dma_start3A_237 : memref<16x128xf32, #tpu.memory_space<vmem>>) target_semaphore(%arg12 : memref<!tpu.dma_semaphore, #tpu.memory_space<semaphore_mem>>)
    %dma_start3A_240 = arith.constant 0 : i32
    %dma_start3A_241 = arith.constant 5 : i32
    %dma_start3A_242 = arith.constant 0 : i32
    %dma_start3A_243 = arith.constant 0 : i32
    %dma_start3A_244 = tpu.memref_slice %arg10[%dma_start3A_240, %dma_start3A_241, %dma_start3A_242, %dma_start3A_243] : memref<2x8x16x128xf32, #tpu.memory_space<vmem>> -> memref<1x1x16x128xf32, #tpu.memory_space<vmem>>
    %dma_start3A_245 = tpu.memref_squeeze %dma_start3A_244 : memref<1x1x16x128xf32, #tpu.memory_space<vmem>> -> memref<16x128xf32, #tpu.memory_space<vmem>>
    %dma_start3A_246 = arith.constant 0 : i32
    %dma_start3A_247 = tpu.memref_slice %arg4[%dma_start3A_246, %multiple_of3A_225] : memref<16x1000000xf32, #tpu.memory_space<hbm>> -> memref<16x128xf32, #tpu.memory_space<hbm>>
    %dma_start3A_248 = arith.constant 0 : i32
    %dma_start3A_249 = arith.constant 0 : i32
    %dma_start3A_250 = tpu.memref_slice %arg10[%dma_start3A_240, %dma_start3A_241, %dma_start3A_248, %dma_start3A_249] : memref<2x8x16x128xf32, #tpu.memory_space<vmem>> -> memref<1x1x16x128xf32, #tpu.memory_space<vmem>>
    %dma_start3A_251 = tpu.memref_squeeze %dma_start3A_250 : memref<1x1x16x128xf32, #tpu.memory_space<vmem>> -> memref<16x128xf32, #tpu.memory_space<vmem>>
    %dma_start3A_252 = arith.constant 0 : i32
    %dma_start3A_253 = tpu.memref_slice %arg4[%dma_start3A_252, %multiple_of3A_225] : memref<16x1000000xf32, #tpu.memory_space<hbm>> -> memref<16x128xf32, #tpu.memory_space<hbm>>
    tpu.enqueue_dma source(%dma_start3A_253 : memref<16x128xf32, #tpu.memory_space<hbm>>) target(%dma_start3A_251 : memref<16x128xf32, #tpu.memory_space<vmem>>) target_semaphore(%arg12 : memref<!tpu.dma_semaphore, #tpu.memory_space<semaphore_mem>>)
    %slice3A_254 = vector.extract_strided_slice %get3A_4 {offsets = [6], sizes = [1], strides = [1]} : vector<16xi32> to vector<1xi32>
    %squeeze3A_255 = vector.extract %slice3A_254[0] : i32 from vector<1xi32>
    %slice3A_256 = vector.extract_strided_slice %get3A_6 {offsets = [6], sizes = [1], strides = [1]} : vector<16xi32> to vector<1xi32>
    %squeeze3A_257 = vector.extract %slice3A_256[0] : i32 from vector<1xi32>
    %shift_right_arithmetic3A_258 = arith.constant 7 : i32
    %shift_right_arithmetic3A_259 = arith.shrsi %squeeze3A_255, %shift_right_arithmetic3A_258 : i32
    %mul3A_260 = arith.constant 128 : i32
    %mul3A_261 = arith.muli %shift_right_arithmetic3A_259, %mul3A_260 : i32
    %multiple_of3A_262 = tpu.assume_multiple %mul3A_261, 128 : i32
    %shift_right_arithmetic3A_263 = arith.constant 7 : i32
    %shift_right_arithmetic3A_264 = arith.shrsi %squeeze3A_257, %shift_right_arithmetic3A_263 : i32
    %mul3A_265 = arith.constant 128 : i32
    %mul3A_266 = arith.muli %shift_right_arithmetic3A_264, %mul3A_265 : i32
    %multiple_of3A_267 = tpu.assume_multiple %mul3A_266, 128 : i32
    %dma_start3A_268 = arith.constant 0 : i32
    %dma_start3A_269 = arith.constant 6 : i32
    %dma_start3A_270 = arith.constant 0 : i32
    %dma_start3A_271 = arith.constant 0 : i32
    %dma_start3A_272 = tpu.memref_slice %arg9[%dma_start3A_268, %dma_start3A_269, %dma_start3A_270, %dma_start3A_271] : memref<2x8x16x128xf32, #tpu.memory_space<vmem>> -> memref<1x1x16x128xf32, #tpu.memory_space<vmem>>
    %dma_start3A_273 = tpu.memref_squeeze %dma_start3A_272 : memref<1x1x16x128xf32, #tpu.memory_space<vmem>> -> memref<16x128xf32, #tpu.memory_space<vmem>>
    %dma_start3A_274 = arith.constant 0 : i32
    %dma_start3A_275 = tpu.memref_slice %arg3[%dma_start3A_274, %multiple_of3A_262] : memref<16x1000000xf32, #tpu.memory_space<hbm>> -> memref<16x128xf32, #tpu.memory_space<hbm>>
    %dma_start3A_276 = arith.constant 0 : i32
    %dma_start3A_277 = arith.constant 0 : i32
    %dma_start3A_278 = tpu.memref_slice %arg9[%dma_start3A_268, %dma_start3A_269, %dma_start3A_276, %dma_start3A_277] : memref<2x8x16x128xf32, #tpu.memory_space<vmem>> -> memref<1x1x16x128xf32, #tpu.memory_space<vmem>>
    %dma_start3A_279 = tpu.memref_squeeze %dma_start3A_278 : memref<1x1x16x128xf32, #tpu.memory_space<vmem>> -> memref<16x128xf32, #tpu.memory_space<vmem>>
    %dma_start3A_280 = arith.constant 0 : i32
    %dma_start3A_281 = tpu.memref_slice %arg3[%dma_start3A_280, %multiple_of3A_262] : memref<16x1000000xf32, #tpu.memory_space<hbm>> -> memref<16x128xf32, #tpu.memory_space<hbm>>
    tpu.enqueue_dma source(%dma_start3A_281 : memref<16x128xf32, #tpu.memory_space<hbm>>) target(%dma_start3A_279 : memref<16x128xf32, #tpu.memory_space<vmem>>) target_semaphore(%arg12 : memref<!tpu.dma_semaphore, #tpu.memory_space<semaphore_mem>>)
    %dma_start3A_282 = arith.constant 0 : i32
    %dma_start3A_283 = arith.constant 6 : i32
    %dma_start3A_284 = arith.constant 0 : i32
    %dma_start3A_285 = arith.constant 0 : i32
    %dma_start3A_286 = tpu.memref_slice %arg10[%dma_start3A_282, %dma_start3A_283, %dma_start3A_284, %dma_start3A_285] : memref<2x8x16x128xf32, #tpu.memory_space<vmem>> -> memref<1x1x16x128xf32, #tpu.memory_space<vmem>>
    %dma_start3A_287 = tpu.memref_squeeze %dma_start3A_286 : memref<1x1x16x128xf32, #tpu.memory_space<vmem>> -> memref<16x128xf32, #tpu.memory_space<vmem>>
    %dma_start3A_288 = arith.constant 0 : i32
    %dma_start3A_289 = tpu.memref_slice %arg4[%dma_start3A_288, %multiple_of3A_267] : memref<16x1000000xf32, #tpu.memory_space<hbm>> -> memref<16x128xf32, #tpu.memory_space<hbm>>
    %dma_start3A_290 = arith.constant 0 : i32
    %dma_start3A_291 = arith.constant 0 : i32
    %dma_start3A_292 = tpu.memref_slice %arg10[%dma_start3A_282, %dma_start3A_283, %dma_start3A_290, %dma_start3A_291] : memref<2x8x16x128xf32, #tpu.memory_space<vmem>> -> memref<1x1x16x128xf32, #tpu.memory_space<vmem>>
    %dma_start3A_293 = tpu.memref_squeeze %dma_start3A_292 : memref<1x1x16x128xf32, #tpu.memory_space<vmem>> -> memref<16x128xf32, #tpu.memory_space<vmem>>
    %dma_start3A_294 = arith.constant 0 : i32
    %dma_start3A_295 = tpu.memref_slice %arg4[%dma_start3A_294, %multiple_of3A_267] : memref<16x1000000xf32, #tpu.memory_space<hbm>> -> memref<16x128xf32, #tpu.memory_space<hbm>>
    tpu.enqueue_dma source(%dma_start3A_295 : memref<16x128xf32, #tpu.memory_space<hbm>>) target(%dma_start3A_293 : memref<16x128xf32, #tpu.memory_space<vmem>>) target_semaphore(%arg12 : memref<!tpu.dma_semaphore, #tpu.memory_space<semaphore_mem>>)
    %slice3A_296 = vector.extract_strided_slice %get3A_4 {offsets = [7], sizes = [1], strides = [1]} : vector<16xi32> to vector<1xi32>
    %squeeze3A_297 = vector.extract %slice3A_296[0] : i32 from vector<1xi32>
    %slice3A_298 = vector.extract_strided_slice %get3A_6 {offsets = [7], sizes = [1], strides = [1]} : vector<16xi32> to vector<1xi32>
    %squeeze3A_299 = vector.extract %slice3A_298[0] : i32 from vector<1xi32>
    %shift_right_arithmetic3A_300 = arith.constant 7 : i32
    %shift_right_arithmetic3A_301 = arith.shrsi %squeeze3A_297, %shift_right_arithmetic3A_300 : i32
    %mul3A_302 = arith.constant 128 : i32
    %mul3A_303 = arith.muli %shift_right_arithmetic3A_301, %mul3A_302 : i32
    %multiple_of3A_304 = tpu.assume_multiple %mul3A_303, 128 : i32
    %shift_right_arithmetic3A_305 = arith.constant 7 : i32
    %shift_right_arithmetic3A_306 = arith.shrsi %squeeze3A_299, %shift_right_arithmetic3A_305 : i32
    %mul3A_307 = arith.constant 128 : i32
    %mul3A_308 = arith.muli %shift_right_arithmetic3A_306, %mul3A_307 : i32
    %multiple_of3A_309 = tpu.assume_multiple %mul3A_308, 128 : i32
    %dma_start3A_310 = arith.constant 0 : i32
    %dma_start3A_311 = arith.constant 7 : i32
    %dma_start3A_312 = arith.constant 0 : i32
    %dma_start3A_313 = arith.constant 0 : i32
    %dma_start3A_314 = tpu.memref_slice %arg9[%dma_start3A_310, %dma_start3A_311, %dma_start3A_312, %dma_start3A_313] : memref<2x8x16x128xf32, #tpu.memory_space<vmem>> -> memref<1x1x16x128xf32, #tpu.memory_space<vmem>>
    %dma_start3A_315 = tpu.memref_squeeze %dma_start3A_314 : memref<1x1x16x128xf32, #tpu.memory_space<vmem>> -> memref<16x128xf32, #tpu.memory_space<vmem>>
    %dma_start3A_316 = arith.constant 0 : i32
    %dma_start3A_317 = tpu.memref_slice %arg3[%dma_start3A_316, %multiple_of3A_304] : memref<16x1000000xf32, #tpu.memory_space<hbm>> -> memref<16x128xf32, #tpu.memory_space<hbm>>
    %dma_start3A_318 = arith.constant 0 : i32
    %dma_start3A_319 = arith.constant 0 : i32
    %dma_start3A_320 = tpu.memref_slice %arg9[%dma_start3A_310, %dma_start3A_311, %dma_start3A_318, %dma_start3A_319] : memref<2x8x16x128xf32, #tpu.memory_space<vmem>> -> memref<1x1x16x128xf32, #tpu.memory_space<vmem>>
    %dma_start3A_321 = tpu.memref_squeeze %dma_start3A_320 : memref<1x1x16x128xf32, #tpu.memory_space<vmem>> -> memref<16x128xf32, #tpu.memory_space<vmem>>
    %dma_start3A_322 = arith.constant 0 : i32
    %dma_start3A_323 = tpu.memref_slice %arg3[%dma_start3A_322, %multiple_of3A_304] : memref<16x1000000xf32, #tpu.memory_space<hbm>> -> memref<16x128xf32, #tpu.memory_space<hbm>>
    tpu.enqueue_dma source(%dma_start3A_323 : memref<16x128xf32, #tpu.memory_space<hbm>>) target(%dma_start3A_321 : memref<16x128xf32, #tpu.memory_space<vmem>>) target_semaphore(%arg12 : memref<!tpu.dma_semaphore, #tpu.memory_space<semaphore_mem>>)
    %dma_start3A_324 = arith.constant 0 : i32
    %dma_start3A_325 = arith.constant 7 : i32
    %dma_start3A_326 = arith.constant 0 : i32
    %dma_start3A_327 = arith.constant 0 : i32
    %dma_start3A_328 = tpu.memref_slice %arg10[%dma_start3A_324, %dma_start3A_325, %dma_start3A_326, %dma_start3A_327] : memref<2x8x16x128xf32, #tpu.memory_space<vmem>> -> memref<1x1x16x128xf32, #tpu.memory_space<vmem>>
    %dma_start3A_329 = tpu.memref_squeeze %dma_start3A_328 : memref<1x1x16x128xf32, #tpu.memory_space<vmem>> -> memref<16x128xf32, #tpu.memory_space<vmem>>
    %dma_start3A_330 = arith.constant 0 : i32
    %dma_start3A_331 = tpu.memref_slice %arg4[%dma_start3A_330, %multiple_of3A_309] : memref<16x1000000xf32, #tpu.memory_space<hbm>> -> memref<16x128xf32, #tpu.memory_space<hbm>>
    %dma_start3A_332 = arith.constant 0 : i32
    %dma_start3A_333 = arith.constant 0 : i32
    %dma_start3A_334 = tpu.memref_slice %arg10[%dma_start3A_324, %dma_start3A_325, %dma_start3A_332, %dma_start3A_333] : memref<2x8x16x128xf32, #tpu.memory_space<vmem>> -> memref<1x1x16x128xf32, #tpu.memory_space<vmem>>
    %dma_start3A_335 = tpu.memref_squeeze %dma_start3A_334 : memref<1x1x16x128xf32, #tpu.memory_space<vmem>> -> memref<16x128xf32, #tpu.memory_space<vmem>>
    %dma_start3A_336 = arith.constant 0 : i32
    %dma_start3A_337 = tpu.memref_slice %arg4[%dma_start3A_336, %multiple_of3A_309] : memref<16x1000000xf32, #tpu.memory_space<hbm>> -> memref<16x128xf32, #tpu.memory_space<hbm>>
    tpu.enqueue_dma source(%dma_start3A_337 : memref<16x128xf32, #tpu.memory_space<hbm>>) target(%dma_start3A_335 : memref<16x128xf32, #tpu.memory_space<vmem>>) target_semaphore(%arg12 : memref<!tpu.dma_semaphore, #tpu.memory_space<semaphore_mem>>)
    %scan3A = arith.constant 0 : i32
    %scan3A_338 = arith.constant 0 : i32
    %scan3A_339 = arith.constant 32 : i32
    %scan3A_340 = arith.addi %scan3A_338, %scan3A_339 : i32
    %scan3A_341 = arith.constant 1 : i32
    scf.for %scan3A_343 = %scan3A_338 to %scan3A_340 step %scan3A_341  : i32 {
      %mul3A_344 = arith.constant 16 : i32
      %mul3A_345 = arith.muli %scan3A_343, %mul3A_344 : i32
      %get3A_346 = arith.index_cast %mul3A_345 : i32 to index
      %get3A_347 = tpu.vector_load %arg7[%get3A_346] {strides = array<i32>} : memref<512xi32, #tpu.memory_space<vmem>>, vector<16xi32>,
      %get3A_348 = arith.index_cast %mul3A_345 : i32 to index
      %get3A_349 = tpu.vector_load %arg8[%get3A_348] {strides = array<i32>} : memref<512xi32, #tpu.memory_space<vmem>>, vector<16xi32>,
      %slice3A_350 = vector.extract_strided_slice %get3A_347 {offsets = [8], sizes = [1], strides = [1]} : vector<16xi32> to vector<1xi32>
      %squeeze3A_351 = vector.extract %slice3A_350[0] : i32 from vector<1xi32>
      %slice3A_352 = vector.extract_strided_slice %get3A_349 {offsets = [8], sizes = [1], strides = [1]} : vector<16xi32> to vector<1xi32>
      %squeeze3A_353 = vector.extract %slice3A_352[0] : i32 from vector<1xi32>
      %shift_right_arithmetic3A_354 = arith.constant 7 : i32
      %shift_right_arithmetic3A_355 = arith.shrsi %squeeze3A_351, %shift_right_arithmetic3A_354 : i32
      %mul3A_356 = arith.constant 128 : i32
      %mul3A_357 = arith.muli %shift_right_arithmetic3A_355, %mul3A_356 : i32
      %multiple_of3A_358 = tpu.assume_multiple %mul3A_357, 128 : i32
      %shift_right_arithmetic3A_359 = arith.constant 7 : i32
      %shift_right_arithmetic3A_360 = arith.shrsi %squeeze3A_353, %shift_right_arithmetic3A_359 : i32
      %mul3A_361 = arith.constant 128 : i32
      %mul3A_362 = arith.muli %shift_right_arithmetic3A_360, %mul3A_361 : i32
      %multiple_of3A_363 = tpu.assume_multiple %mul3A_362, 128 : i32
      %dma_start3A_364 = arith.constant 1 : i32
      %dma_start3A_365 = arith.constant 0 : i32
      %dma_start3A_366 = arith.constant 0 : i32
      %dma_start3A_367 = arith.constant 0 : i32
      %dma_start3A_368 = tpu.memref_slice %arg9[%dma_start3A_364, %dma_start3A_365, %dma_start3A_366, %dma_start3A_367] : memref<2x8x16x128xf32, #tpu.memory_space<vmem>> -> memref<1x1x16x128xf32, #tpu.memory_space<vmem>>
      %dma_start3A_369 = tpu.memref_squeeze %dma_start3A_368 : memref<1x1x16x128xf32, #tpu.memory_space<vmem>> -> memref<16x128xf32, #tpu.memory_space<vmem>>
      %dma_start3A_370 = arith.constant 0 : i32
      %dma_start3A_371 = tpu.memref_slice %arg3[%dma_start3A_370, %multiple_of3A_358] : memref<16x1000000xf32, #tpu.memory_space<hbm>> -> memref<16x128xf32, #tpu.memory_space<hbm>>
      %dma_start3A_372 = arith.constant 0 : i32
      %dma_start3A_373 = arith.constant 0 : i32
      %dma_start3A_374 = tpu.memref_slice %arg9[%dma_start3A_364, %dma_start3A_365, %dma_start3A_372, %dma_start3A_373] : memref<2x8x16x128xf32, #tpu.memory_space<vmem>> -> memref<1x1x16x128xf32, #tpu.memory_space<vmem>>
      %dma_start3A_375 = tpu.memref_squeeze %dma_start3A_374 : memref<1x1x16x128xf32, #tpu.memory_space<vmem>> -> memref<16x128xf32, #tpu.memory_space<vmem>>
      %dma_start3A_376 = arith.constant 0 : i32
      %dma_start3A_377 = tpu.memref_slice %arg3[%dma_start3A_376, %multiple_of3A_358] : memref<16x1000000xf32, #tpu.memory_space<hbm>> -> memref<16x128xf32, #tpu.memory_space<hbm>>
      tpu.enqueue_dma source(%dma_start3A_377 : memref<16x128xf32, #tpu.memory_space<hbm>>) target(%dma_start3A_375 : memref<16x128xf32, #tpu.memory_space<vmem>>) target_semaphore(%arg13 : memref<!tpu.dma_semaphore, #tpu.memory_space<semaphore_mem>>)
      %dma_start3A_378 = arith.constant 1 : i32
      %dma_start3A_379 = arith.constant 0 : i32
      %dma_start3A_380 = arith.constant 0 : i32
      %dma_start3A_381 = arith.constant 0 : i32
      %dma_start3A_382 = tpu.memref_slice %arg10[%dma_start3A_378, %dma_start3A_379, %dma_start3A_380, %dma_start3A_381] : memref<2x8x16x128xf32, #tpu.memory_space<vmem>> -> memref<1x1x16x128xf32, #tpu.memory_space<vmem>>
      %dma_start3A_383 = tpu.memref_squeeze %dma_start3A_382 : memref<1x1x16x128xf32, #tpu.memory_space<vmem>> -> memref<16x128xf32, #tpu.memory_space<vmem>>
      %dma_start3A_384 = arith.constant 0 : i32
      %dma_start3A_385 = tpu.memref_slice %arg4[%dma_start3A_384, %multiple_of3A_363] : memref<16x1000000xf32, #tpu.memory_space<hbm>> -> memref<16x128xf32, #tpu.memory_space<hbm>>
      %dma_start3A_386 = arith.constant 0 : i32
      %dma_start3A_387 = arith.constant 0 : i32
      %dma_start3A_388 = tpu.memref_slice %arg10[%dma_start3A_378, %dma_start3A_379, %dma_start3A_386, %dma_start3A_387] : memref<2x8x16x128xf32, #tpu.memory_space<vmem>> -> memref<1x1x16x128xf32, #tpu.memory_space<vmem>>
      %dma_start3A_389 = tpu.memref_squeeze %dma_start3A_388 : memref<1x1x16x128xf32, #tpu.memory_space<vmem>> -> memref<16x128xf32, #tpu.memory_space<vmem>>
      %dma_start3A_390 = arith.constant 0 : i32
      %dma_start3A_391 = tpu.memref_slice %arg4[%dma_start3A_390, %multiple_of3A_363] : memref<16x1000000xf32, #tpu.memory_space<hbm>> -> memref<16x128xf32, #tpu.memory_space<hbm>>
      tpu.enqueue_dma source(%dma_start3A_391 : memref<16x128xf32, #tpu.memory_space<hbm>>) target(%dma_start3A_389 : memref<16x128xf32, #tpu.memory_space<vmem>>) target_semaphore(%arg13 : memref<!tpu.dma_semaphore, #tpu.memory_space<semaphore_mem>>)
      %slice3A_392 = vector.extract_strided_slice %get3A_347 {offsets = [9], sizes = [1], strides = [1]} : vector<16xi32> to vector<1xi32>
      %squeeze3A_393 = vector.extract %slice3A_392[0] : i32 from vector<1xi32>
      %slice3A_394 = vector.extract_strided_slice %get3A_349 {offsets = [9], sizes = [1], strides = [1]} : vector<16xi32> to vector<1xi32>
      %squeeze3A_395 = vector.extract %slice3A_394[0] : i32 from vector<1xi32>
      %shift_right_arithmetic3A_396 = arith.constant 7 : i32
      %shift_right_arithmetic3A_397 = arith.shrsi %squeeze3A_393, %shift_right_arithmetic3A_396 : i32
      %mul3A_398 = arith.constant 128 : i32
      %mul3A_399 = arith.muli %shift_right_arithmetic3A_397, %mul3A_398 : i32
      %multiple_of3A_400 = tpu.assume_multiple %mul3A_399, 128 : i32
      %shift_right_arithmetic3A_401 = arith.constant 7 : i32
      %shift_right_arithmetic3A_402 = arith.shrsi %squeeze3A_395, %shift_right_arithmetic3A_401 : i32
      %mul3A_403 = arith.constant 128 : i32
      %mul3A_404 = arith.muli %shift_right_arithmetic3A_402, %mul3A_403 : i32
      %multiple_of3A_405 = tpu.assume_multiple %mul3A_404, 128 : i32
      %dma_start3A_406 = arith.constant 1 : i32
      %dma_start3A_407 = arith.constant 1 : i32
      %dma_start3A_408 = arith.constant 0 : i32
      %dma_start3A_409 = arith.constant 0 : i32
      %dma_start3A_410 = tpu.memref_slice %arg9[%dma_start3A_406, %dma_start3A_407, %dma_start3A_408, %dma_start3A_409] : memref<2x8x16x128xf32, #tpu.memory_space<vmem>> -> memref<1x1x16x128xf32, #tpu.memory_space<vmem>>
      %dma_start3A_411 = tpu.memref_squeeze %dma_start3A_410 : memref<1x1x16x128xf32, #tpu.memory_space<vmem>> -> memref<16x128xf32, #tpu.memory_space<vmem>>
      %dma_start3A_412 = arith.constant 0 : i32
      %dma_start3A_413 = tpu.memref_slice %arg3[%dma_start3A_412, %multiple_of3A_400] : memref<16x1000000xf32, #tpu.memory_space<hbm>> -> memref<16x128xf32, #tpu.memory_space<hbm>>
      %dma_start3A_414 = arith.constant 0 : i32
      %dma_start3A_415 = arith.constant 0 : i32
      %dma_start3A_416 = tpu.memref_slice %arg9[%dma_start3A_406, %dma_start3A_407, %dma_start3A_414, %dma_start3A_415] : memref<2x8x16x128xf32, #tpu.memory_space<vmem>> -> memref<1x1x16x128xf32, #tpu.memory_space<vmem>>
      %dma_start3A_417 = tpu.memref_squeeze %dma_start3A_416 : memref<1x1x16x128xf32, #tpu.memory_space<vmem>> -> memref<16x128xf32, #tpu.memory_space<vmem>>
      %dma_start3A_418 = arith.constant 0 : i32
      %dma_start3A_419 = tpu.memref_slice %arg3[%dma_start3A_418, %multiple_of3A_400] : memref<16x1000000xf32, #tpu.memory_space<hbm>> -> memref<16x128xf32, #tpu.memory_space<hbm>>
      tpu.enqueue_dma source(%dma_start3A_419 : memref<16x128xf32, #tpu.memory_space<hbm>>) target(%dma_start3A_417 : memref<16x128xf32, #tpu.memory_space<vmem>>) target_semaphore(%arg13 : memref<!tpu.dma_semaphore, #tpu.memory_space<semaphore_mem>>)
      %dma_start3A_420 = arith.constant 1 : i32
      %dma_start3A_421 = arith.constant 1 : i32
      %dma_start3A_422 = arith.constant 0 : i32
      %dma_start3A_423 = arith.constant 0 : i32
      %dma_start3A_424 = tpu.memref_slice %arg10[%dma_start3A_420, %dma_start3A_421, %dma_start3A_422, %dma_start3A_423] : memref<2x8x16x128xf32, #tpu.memory_space<vmem>> -> memref<1x1x16x128xf32, #tpu.memory_space<vmem>>
      %dma_start3A_425 = tpu.memref_squeeze %dma_start3A_424 : memref<1x1x16x128xf32, #tpu.memory_space<vmem>> -> memref<16x128xf32, #tpu.memory_space<vmem>>
      %dma_start3A_426 = arith.constant 0 : i32
      %dma_start3A_427 = tpu.memref_slice %arg4[%dma_start3A_426, %multiple_of3A_405] : memref<16x1000000xf32, #tpu.memory_space<hbm>> -> memref<16x128xf32, #tpu.memory_space<hbm>>
      %dma_start3A_428 = arith.constant 0 : i32
      %dma_start3A_429 = arith.constant 0 : i32
      %dma_start3A_430 = tpu.memref_slice %arg10[%dma_start3A_420, %dma_start3A_421, %dma_start3A_428, %dma_start3A_429] : memref<2x8x16x128xf32, #tpu.memory_space<vmem>> -> memref<1x1x16x128xf32, #tpu.memory_space<vmem>>
      %dma_start3A_431 = tpu.memref_squeeze %dma_start3A_430 : memref<1x1x16x128xf32, #tpu.memory_space<vmem>> -> memref<16x128xf32, #tpu.memory_space<vmem>>
      %dma_start3A_432 = arith.constant 0 : i32
      %dma_start3A_433 = tpu.memref_slice %arg4[%dma_start3A_432, %multiple_of3A_405] : memref<16x1000000xf32, #tpu.memory_space<hbm>> -> memref<16x128xf32, #tpu.memory_space<hbm>>
      tpu.enqueue_dma source(%dma_start3A_433 : memref<16x128xf32, #tpu.memory_space<hbm>>) target(%dma_start3A_431 : memref<16x128xf32, #tpu.memory_space<vmem>>) target_semaphore(%arg13 : memref<!tpu.dma_semaphore, #tpu.memory_space<semaphore_mem>>)
      %slice3A_434 = vector.extract_strided_slice %get3A_347 {offsets = [10], sizes = [1], strides = [1]} : vector<16xi32> to vector<1xi32>
      %squeeze3A_435 = vector.extract %slice3A_434[0] : i32 from vector<1xi32>
      %slice3A_436 = vector.extract_strided_slice %get3A_349 {offsets = [10], sizes = [1], strides = [1]} : vector<16xi32> to vector<1xi32>
      %squeeze3A_437 = vector.extract %slice3A_436[0] : i32 from vector<1xi32>
      %shift_right_arithmetic3A_438 = arith.constant 7 : i32
      %shift_right_arithmetic3A_439 = arith.shrsi %squeeze3A_435, %shift_right_arithmetic3A_438 : i32
      %mul3A_440 = arith.constant 128 : i32
      %mul3A_441 = arith.muli %shift_right_arithmetic3A_439, %mul3A_440 : i32
      %multiple_of3A_442 = tpu.assume_multiple %mul3A_441, 128 : i32
      %shift_right_arithmetic3A_443 = arith.constant 7 : i32
      %shift_right_arithmetic3A_444 = arith.shrsi %squeeze3A_437, %shift_right_arithmetic3A_443 : i32
      %mul3A_445 = arith.constant 128 : i32
      %mul3A_446 = arith.muli %shift_right_arithmetic3A_444, %mul3A_445 : i32
      %multiple_of3A_447 = tpu.assume_multiple %mul3A_446, 128 : i32
      %dma_start3A_448 = arith.constant 1 : i32
      %dma_start3A_449 = arith.constant 2 : i32
      %dma_start3A_450 = arith.constant 0 : i32
      %dma_start3A_451 = arith.constant 0 : i32
      %dma_start3A_452 = tpu.memref_slice %arg9[%dma_start3A_448, %dma_start3A_449, %dma_start3A_450, %dma_start3A_451] : memref<2x8x16x128xf32, #tpu.memory_space<vmem>> -> memref<1x1x16x128xf32, #tpu.memory_space<vmem>>
      %dma_start3A_453 = tpu.memref_squeeze %dma_start3A_452 : memref<1x1x16x128xf32, #tpu.memory_space<vmem>> -> memref<16x128xf32, #tpu.memory_space<vmem>>
      %dma_start3A_454 = arith.constant 0 : i32
      %dma_start3A_455 = tpu.memref_slice %arg3[%dma_start3A_454, %multiple_of3A_442] : memref<16x1000000xf32, #tpu.memory_space<hbm>> -> memref<16x128xf32, #tpu.memory_space<hbm>>
      %dma_start3A_456 = arith.constant 0 : i32
      %dma_start3A_457 = arith.constant 0 : i32
      %dma_start3A_458 = tpu.memref_slice %arg9[%dma_start3A_448, %dma_start3A_449, %dma_start3A_456, %dma_start3A_457] : memref<2x8x16x128xf32, #tpu.memory_space<vmem>> -> memref<1x1x16x128xf32, #tpu.memory_space<vmem>>
      %dma_start3A_459 = tpu.memref_squeeze %dma_start3A_458 : memref<1x1x16x128xf32, #tpu.memory_space<vmem>> -> memref<16x128xf32, #tpu.memory_space<vmem>>
      %dma_start3A_460 = arith.constant 0 : i32
      %dma_start3A_461 = tpu.memref_slice %arg3[%dma_start3A_460, %multiple_of3A_442] : memref<16x1000000xf32, #tpu.memory_space<hbm>> -> memref<16x128xf32, #tpu.memory_space<hbm>>
      tpu.enqueue_dma source(%dma_start3A_461 : memref<16x128xf32, #tpu.memory_space<hbm>>) target(%dma_start3A_459 : memref<16x128xf32, #tpu.memory_space<vmem>>) target_semaphore(%arg13 : memref<!tpu.dma_semaphore, #tpu.memory_space<semaphore_mem>>)
      %dma_start3A_462 = arith.constant 1 : i32
      %dma_start3A_463 = arith.constant 2 : i32
      %dma_start3A_464 = arith.constant 0 : i32
      %dma_start3A_465 = arith.constant 0 : i32
      %dma_start3A_466 = tpu.memref_slice %arg10[%dma_start3A_462, %dma_start3A_463, %dma_start3A_464, %dma_start3A_465] : memref<2x8x16x128xf32, #tpu.memory_space<vmem>> -> memref<1x1x16x128xf32, #tpu.memory_space<vmem>>
      %dma_start3A_467 = tpu.memref_squeeze %dma_start3A_466 : memref<1x1x16x128xf32, #tpu.memory_space<vmem>> -> memref<16x128xf32, #tpu.memory_space<vmem>>
      %dma_start3A_468 = arith.constant 0 : i32
      %dma_start3A_469 = tpu.memref_slice %arg4[%dma_start3A_468, %multiple_of3A_447] : memref<16x1000000xf32, #tpu.memory_space<hbm>> -> memref<16x128xf32, #tpu.memory_space<hbm>>
      %dma_start3A_470 = arith.constant 0 : i32
      %dma_start3A_471 = arith.constant 0 : i32
      %dma_start3A_472 = tpu.memref_slice %arg10[%dma_start3A_462, %dma_start3A_463, %dma_start3A_470, %dma_start3A_471] : memref<2x8x16x128xf32, #tpu.memory_space<vmem>> -> memref<1x1x16x128xf32, #tpu.memory_space<vmem>>
      %dma_start3A_473 = tpu.memref_squeeze %dma_start3A_472 : memref<1x1x16x128xf32, #tpu.memory_space<vmem>> -> memref<16x128xf32, #tpu.memory_space<vmem>>
      %dma_start3A_474 = arith.constant 0 : i32
      %dma_start3A_475 = tpu.memref_slice %arg4[%dma_start3A_474, %multiple_of3A_447] : memref<16x1000000xf32, #tpu.memory_space<hbm>> -> memref<16x128xf32, #tpu.memory_space<hbm>>
      tpu.enqueue_dma source(%dma_start3A_475 : memref<16x128xf32, #tpu.memory_space<hbm>>) target(%dma_start3A_473 : memref<16x128xf32, #tpu.memory_space<vmem>>) target_semaphore(%arg13 : memref<!tpu.dma_semaphore, #tpu.memory_space<semaphore_mem>>)
      %slice3A_476 = vector.extract_strided_slice %get3A_347 {offsets = [11], sizes = [1], strides = [1]} : vector<16xi32> to vector<1xi32>
      %squeeze3A_477 = vector.extract %slice3A_476[0] : i32 from vector<1xi32>
      %slice3A_478 = vector.extract_strided_slice %get3A_349 {offsets = [11], sizes = [1], strides = [1]} : vector<16xi32> to vector<1xi32>
      %squeeze3A_479 = vector.extract %slice3A_478[0] : i32 from vector<1xi32>
      %shift_right_arithmetic3A_480 = arith.constant 7 : i32
      %shift_right_arithmetic3A_481 = arith.shrsi %squeeze3A_477, %shift_right_arithmetic3A_480 : i32
      %mul3A_482 = arith.constant 128 : i32
      %mul3A_483 = arith.muli %shift_right_arithmetic3A_481, %mul3A_482 : i32
      %multiple_of3A_484 = tpu.assume_multiple %mul3A_483, 128 : i32
      %shift_right_arithmetic3A_485 = arith.constant 7 : i32
      %shift_right_arithmetic3A_486 = arith.shrsi %squeeze3A_479, %shift_right_arithmetic3A_485 : i32
      %mul3A_487 = arith.constant 128 : i32
      %mul3A_488 = arith.muli %shift_right_arithmetic3A_486, %mul3A_487 : i32
      %multiple_of3A_489 = tpu.assume_multiple %mul3A_488, 128 : i32
      %dma_start3A_490 = arith.constant 1 : i32
      %dma_start3A_491 = arith.constant 3 : i32
      %dma_start3A_492 = arith.constant 0 : i32
      %dma_start3A_493 = arith.constant 0 : i32
      %dma_start3A_494 = tpu.memref_slice %arg9[%dma_start3A_490, %dma_start3A_491, %dma_start3A_492, %dma_start3A_493] : memref<2x8x16x128xf32, #tpu.memory_space<vmem>> -> memref<1x1x16x128xf32, #tpu.memory_space<vmem>>
      %dma_start3A_495 = tpu.memref_squeeze %dma_start3A_494 : memref<1x1x16x128xf32, #tpu.memory_space<vmem>> -> memref<16x128xf32, #tpu.memory_space<vmem>>
      %dma_start3A_496 = arith.constant 0 : i32
      %dma_start3A_497 = tpu.memref_slice %arg3[%dma_start3A_496, %multiple_of3A_484] : memref<16x1000000xf32, #tpu.memory_space<hbm>> -> memref<16x128xf32, #tpu.memory_space<hbm>>
      %dma_start3A_498 = arith.constant 0 : i32
      %dma_start3A_499 = arith.constant 0 : i32
      %dma_start3A_500 = tpu.memref_slice %arg9[%dma_start3A_490, %dma_start3A_491, %dma_start3A_498, %dma_start3A_499] : memref<2x8x16x128xf32, #tpu.memory_space<vmem>> -> memref<1x1x16x128xf32, #tpu.memory_space<vmem>>
      %dma_start3A_501 = tpu.memref_squeeze %dma_start3A_500 : memref<1x1x16x128xf32, #tpu.memory_space<vmem>> -> memref<16x128xf32, #tpu.memory_space<vmem>>
      %dma_start3A_502 = arith.constant 0 : i32
      %dma_start3A_503 = tpu.memref_slice %arg3[%dma_start3A_502, %multiple_of3A_484] : memref<16x1000000xf32, #tpu.memory_space<hbm>> -> memref<16x128xf32, #tpu.memory_space<hbm>>
      tpu.enqueue_dma source(%dma_start3A_503 : memref<16x128xf32, #tpu.memory_space<hbm>>) target(%dma_start3A_501 : memref<16x128xf32, #tpu.memory_space<vmem>>) target_semaphore(%arg13 : memref<!tpu.dma_semaphore, #tpu.memory_space<semaphore_mem>>)
      %dma_start3A_504 = arith.constant 1 : i32
      %dma_start3A_505 = arith.constant 3 : i32
      %dma_start3A_506 = arith.constant 0 : i32
      %dma_start3A_507 = arith.constant 0 : i32
      %dma_start3A_508 = tpu.memref_slice %arg10[%dma_start3A_504, %dma_start3A_505, %dma_start3A_506, %dma_start3A_507] : memref<2x8x16x128xf32, #tpu.memory_space<vmem>> -> memref<1x1x16x128xf32, #tpu.memory_space<vmem>>
      %dma_start3A_509 = tpu.memref_squeeze %dma_start3A_508 : memref<1x1x16x128xf32, #tpu.memory_space<vmem>> -> memref<16x128xf32, #tpu.memory_space<vmem>>
      %dma_start3A_510 = arith.constant 0 : i32
      %dma_start3A_511 = tpu.memref_slice %arg4[%dma_start3A_510, %multiple_of3A_489] : memref<16x1000000xf32, #tpu.memory_space<hbm>> -> memref<16x128xf32, #tpu.memory_space<hbm>>
      %dma_start3A_512 = arith.constant 0 : i32
      %dma_start3A_513 = arith.constant 0 : i32
      %dma_start3A_514 = tpu.memref_slice %arg10[%dma_start3A_504, %dma_start3A_505, %dma_start3A_512, %dma_start3A_513] : memref<2x8x16x128xf32, #tpu.memory_space<vmem>> -> memref<1x1x16x128xf32, #tpu.memory_space<vmem>>
      %dma_start3A_515 = tpu.memref_squeeze %dma_start3A_514 : memref<1x1x16x128xf32, #tpu.memory_space<vmem>> -> memref<16x128xf32, #tpu.memory_space<vmem>>
      %dma_start3A_516 = arith.constant 0 : i32
      %dma_start3A_517 = tpu.memref_slice %arg4[%dma_start3A_516, %multiple_of3A_489] : memref<16x1000000xf32, #tpu.memory_space<hbm>> -> memref<16x128xf32, #tpu.memory_space<hbm>>
      tpu.enqueue_dma source(%dma_start3A_517 : memref<16x128xf32, #tpu.memory_space<hbm>>) target(%dma_start3A_515 : memref<16x128xf32, #tpu.memory_space<vmem>>) target_semaphore(%arg13 : memref<!tpu.dma_semaphore, #tpu.memory_space<semaphore_mem>>)
      %slice3A_518 = vector.extract_strided_slice %get3A_347 {offsets = [12], sizes = [1], strides = [1]} : vector<16xi32> to vector<1xi32>
      %squeeze3A_519 = vector.extract %slice3A_518[0] : i32 from vector<1xi32>
      %slice3A_520 = vector.extract_strided_slice %get3A_349 {offsets = [12], sizes = [1], strides = [1]} : vector<16xi32> to vector<1xi32>
      %squeeze3A_521 = vector.extract %slice3A_520[0] : i32 from vector<1xi32>
      %shift_right_arithmetic3A_522 = arith.constant 7 : i32
      %shift_right_arithmetic3A_523 = arith.shrsi %squeeze3A_519, %shift_right_arithmetic3A_522 : i32
      %mul3A_524 = arith.constant 128 : i32
      %mul3A_525 = arith.muli %shift_right_arithmetic3A_523, %mul3A_524 : i32
      %multiple_of3A_526 = tpu.assume_multiple %mul3A_525, 128 : i32
      %shift_right_arithmetic3A_527 = arith.constant 7 : i32
      %shift_right_arithmetic3A_528 = arith.shrsi %squeeze3A_521, %shift_right_arithmetic3A_527 : i32
      %mul3A_529 = arith.constant 128 : i32
      %mul3A_530 = arith.muli %shift_right_arithmetic3A_528, %mul3A_529 : i32
      %multiple_of3A_531 = tpu.assume_multiple %mul3A_530, 128 : i32
      %dma_start3A_532 = arith.constant 1 : i32
      %dma_start3A_533 = arith.constant 4 : i32
      %dma_start3A_534 = arith.constant 0 : i32
      %dma_start3A_535 = arith.constant 0 : i32
      %dma_start3A_536 = tpu.memref_slice %arg9[%dma_start3A_532, %dma_start3A_533, %dma_start3A_534, %dma_start3A_535] : memref<2x8x16x128xf32, #tpu.memory_space<vmem>> -> memref<1x1x16x128xf32, #tpu.memory_space<vmem>>
      %dma_start3A_537 = tpu.memref_squeeze %dma_start3A_536 : memref<1x1x16x128xf32, #tpu.memory_space<vmem>> -> memref<16x128xf32, #tpu.memory_space<vmem>>
      %dma_start3A_538 = arith.constant 0 : i32
      %dma_start3A_539 = tpu.memref_slice %arg3[%dma_start3A_538, %multiple_of3A_526] : memref<16x1000000xf32, #tpu.memory_space<hbm>> -> memref<16x128xf32, #tpu.memory_space<hbm>>
      %dma_start3A_540 = arith.constant 0 : i32
      %dma_start3A_541 = arith.constant 0 : i32
      %dma_start3A_542 = tpu.memref_slice %arg9[%dma_start3A_532, %dma_start3A_533, %dma_start3A_540, %dma_start3A_541] : memref<2x8x16x128xf32, #tpu.memory_space<vmem>> -> memref<1x1x16x128xf32, #tpu.memory_space<vmem>>
      %dma_start3A_543 = tpu.memref_squeeze %dma_start3A_542 : memref<1x1x16x128xf32, #tpu.memory_space<vmem>> -> memref<16x128xf32, #tpu.memory_space<vmem>>
      %dma_start3A_544 = arith.constant 0 : i32
      %dma_start3A_545 = tpu.memref_slice %arg3[%dma_start3A_544, %multiple_of3A_526] : memref<16x1000000xf32, #tpu.memory_space<hbm>> -> memref<16x128xf32, #tpu.memory_space<hbm>>
      tpu.enqueue_dma source(%dma_start3A_545 : memref<16x128xf32, #tpu.memory_space<hbm>>) target(%dma_start3A_543 : memref<16x128xf32, #tpu.memory_space<vmem>>) target_semaphore(%arg13 : memref<!tpu.dma_semaphore, #tpu.memory_space<semaphore_mem>>)
      %dma_start3A_546 = arith.constant 1 : i32
      %dma_start3A_547 = arith.constant 4 : i32
      %dma_start3A_548 = arith.constant 0 : i32
      %dma_start3A_549 = arith.constant 0 : i32
      %dma_start3A_550 = tpu.memref_slice %arg10[%dma_start3A_546, %dma_start3A_547, %dma_start3A_548, %dma_start3A_549] : memref<2x8x16x128xf32, #tpu.memory_space<vmem>> -> memref<1x1x16x128xf32, #tpu.memory_space<vmem>>
      %dma_start3A_551 = tpu.memref_squeeze %dma_start3A_550 : memref<1x1x16x128xf32, #tpu.memory_space<vmem>> -> memref<16x128xf32, #tpu.memory_space<vmem>>
      %dma_start3A_552 = arith.constant 0 : i32
      %dma_start3A_553 = tpu.memref_slice %arg4[%dma_start3A_552, %multiple_of3A_531] : memref<16x1000000xf32, #tpu.memory_space<hbm>> -> memref<16x128xf32, #tpu.memory_space<hbm>>
      %dma_start3A_554 = arith.constant 0 : i32
      %dma_start3A_555 = arith.constant 0 : i32
      %dma_start3A_556 = tpu.memref_slice %arg10[%dma_start3A_546, %dma_start3A_547, %dma_start3A_554, %dma_start3A_555] : memref<2x8x16x128xf32, #tpu.memory_space<vmem>> -> memref<1x1x16x128xf32, #tpu.memory_space<vmem>>
      %dma_start3A_557 = tpu.memref_squeeze %dma_start3A_556 : memref<1x1x16x128xf32, #tpu.memory_space<vmem>> -> memref<16x128xf32, #tpu.memory_space<vmem>>
      %dma_start3A_558 = arith.constant 0 : i32
      %dma_start3A_559 = tpu.memref_slice %arg4[%dma_start3A_558, %multiple_of3A_531] : memref<16x1000000xf32, #tpu.memory_space<hbm>> -> memref<16x128xf32, #tpu.memory_space<hbm>>
      tpu.enqueue_dma source(%dma_start3A_559 : memref<16x128xf32, #tpu.memory_space<hbm>>) target(%dma_start3A_557 : memref<16x128xf32, #tpu.memory_space<vmem>>) target_semaphore(%arg13 : memref<!tpu.dma_semaphore, #tpu.memory_space<semaphore_mem>>)
      %slice3A_560 = vector.extract_strided_slice %get3A_347 {offsets = [13], sizes = [1], strides = [1]} : vector<16xi32> to vector<1xi32>
      %squeeze3A_561 = vector.extract %slice3A_560[0] : i32 from vector<1xi32>
      %slice3A_562 = vector.extract_strided_slice %get3A_349 {offsets = [13], sizes = [1], strides = [1]} : vector<16xi32> to vector<1xi32>
      %squeeze3A_563 = vector.extract %slice3A_562[0] : i32 from vector<1xi32>
      %shift_right_arithmetic3A_564 = arith.constant 7 : i32
      %shift_right_arithmetic3A_565 = arith.shrsi %squeeze3A_561, %shift_right_arithmetic3A_564 : i32
      %mul3A_566 = arith.constant 128 : i32
      %mul3A_567 = arith.muli %shift_right_arithmetic3A_565, %mul3A_566 : i32
      %multiple_of3A_568 = tpu.assume_multiple %mul3A_567, 128 : i32
      %shift_right_arithmetic3A_569 = arith.constant 7 : i32
      %shift_right_arithmetic3A_570 = arith.shrsi %squeeze3A_563, %shift_right_arithmetic3A_569 : i32
      %mul3A_571 = arith.constant 128 : i32
      %mul3A_572 = arith.muli %shift_right_arithmetic3A_570, %mul3A_571 : i32
      %multiple_of3A_573 = tpu.assume_multiple %mul3A_572, 128 : i32
      %dma_start3A_574 = arith.constant 1 : i32
      %dma_start3A_575 = arith.constant 5 : i32
      %dma_start3A_576 = arith.constant 0 : i32
      %dma_start3A_577 = arith.constant 0 : i32
      %dma_start3A_578 = tpu.memref_slice %arg9[%dma_start3A_574, %dma_start3A_575, %dma_start3A_576, %dma_start3A_577] : memref<2x8x16x128xf32, #tpu.memory_space<vmem>> -> memref<1x1x16x128xf32, #tpu.memory_space<vmem>>
      %dma_start3A_579 = tpu.memref_squeeze %dma_start3A_578 : memref<1x1x16x128xf32, #tpu.memory_space<vmem>> -> memref<16x128xf32, #tpu.memory_space<vmem>>
      %dma_start3A_580 = arith.constant 0 : i32
      %dma_start3A_581 = tpu.memref_slice %arg3[%dma_start3A_580, %multiple_of3A_568] : memref<16x1000000xf32, #tpu.memory_space<hbm>> -> memref<16x128xf32, #tpu.memory_space<hbm>>
      %dma_start3A_582 = arith.constant 0 : i32
      %dma_start3A_583 = arith.constant 0 : i32
      %dma_start3A_584 = tpu.memref_slice %arg9[%dma_start3A_574, %dma_start3A_575, %dma_start3A_582, %dma_start3A_583] : memref<2x8x16x128xf32, #tpu.memory_space<vmem>> -> memref<1x1x16x128xf32, #tpu.memory_space<vmem>>
      %dma_start3A_585 = tpu.memref_squeeze %dma_start3A_584 : memref<1x1x16x128xf32, #tpu.memory_space<vmem>> -> memref<16x128xf32, #tpu.memory_space<vmem>>
      %dma_start3A_586 = arith.constant 0 : i32
      %dma_start3A_587 = tpu.memref_slice %arg3[%dma_start3A_586, %multiple_of3A_568] : memref<16x1000000xf32, #tpu.memory_space<hbm>> -> memref<16x128xf32, #tpu.memory_space<hbm>>
      tpu.enqueue_dma source(%dma_start3A_587 : memref<16x128xf32, #tpu.memory_space<hbm>>) target(%dma_start3A_585 : memref<16x128xf32, #tpu.memory_space<vmem>>) target_semaphore(%arg13 : memref<!tpu.dma_semaphore, #tpu.memory_space<semaphore_mem>>)
      %dma_start3A_588 = arith.constant 1 : i32
      %dma_start3A_589 = arith.constant 5 : i32
      %dma_start3A_590 = arith.constant 0 : i32
      %dma_start3A_591 = arith.constant 0 : i32
      %dma_start3A_592 = tpu.memref_slice %arg10[%dma_start3A_588, %dma_start3A_589, %dma_start3A_590, %dma_start3A_591] : memref<2x8x16x128xf32, #tpu.memory_space<vmem>> -> memref<1x1x16x128xf32, #tpu.memory_space<vmem>>
      %dma_start3A_593 = tpu.memref_squeeze %dma_start3A_592 : memref<1x1x16x128xf32, #tpu.memory_space<vmem>> -> memref<16x128xf32, #tpu.memory_space<vmem>>
      %dma_start3A_594 = arith.constant 0 : i32
      %dma_start3A_595 = tpu.memref_slice %arg4[%dma_start3A_594, %multiple_of3A_573] : memref<16x1000000xf32, #tpu.memory_space<hbm>> -> memref<16x128xf32, #tpu.memory_space<hbm>>
      %dma_start3A_596 = arith.constant 0 : i32
      %dma_start3A_597 = arith.constant 0 : i32
      %dma_start3A_598 = tpu.memref_slice %arg10[%dma_start3A_588, %dma_start3A_589, %dma_start3A_596, %dma_start3A_597] : memref<2x8x16x128xf32, #tpu.memory_space<vmem>> -> memref<1x1x16x128xf32, #tpu.memory_space<vmem>>
      %dma_start3A_599 = tpu.memref_squeeze %dma_start3A_598 : memref<1x1x16x128xf32, #tpu.memory_space<vmem>> -> memref<16x128xf32, #tpu.memory_space<vmem>>
      %dma_start3A_600 = arith.constant 0 : i32
      %dma_start3A_601 = tpu.memref_slice %arg4[%dma_start3A_600, %multiple_of3A_573] : memref<16x1000000xf32, #tpu.memory_space<hbm>> -> memref<16x128xf32, #tpu.memory_space<hbm>>
      tpu.enqueue_dma source(%dma_start3A_601 : memref<16x128xf32, #tpu.memory_space<hbm>>) target(%dma_start3A_599 : memref<16x128xf32, #tpu.memory_space<vmem>>) target_semaphore(%arg13 : memref<!tpu.dma_semaphore, #tpu.memory_space<semaphore_mem>>)
      %slice3A_602 = vector.extract_strided_slice %get3A_347 {offsets = [14], sizes = [1], strides = [1]} : vector<16xi32> to vector<1xi32>
      %squeeze3A_603 = vector.extract %slice3A_602[0] : i32 from vector<1xi32>
      %slice3A_604 = vector.extract_strided_slice %get3A_349 {offsets = [14], sizes = [1], strides = [1]} : vector<16xi32> to vector<1xi32>
      %squeeze3A_605 = vector.extract %slice3A_604[0] : i32 from vector<1xi32>
      %shift_right_arithmetic3A_606 = arith.constant 7 : i32
      %shift_right_arithmetic3A_607 = arith.shrsi %squeeze3A_603, %shift_right_arithmetic3A_606 : i32
      %mul3A_608 = arith.constant 128 : i32
      %mul3A_609 = arith.muli %shift_right_arithmetic3A_607, %mul3A_608 : i32
      %multiple_of3A_610 = tpu.assume_multiple %mul3A_609, 128 : i32
      %shift_right_arithmetic3A_611 = arith.constant 7 : i32
      %shift_right_arithmetic3A_612 = arith.shrsi %squeeze3A_605, %shift_right_arithmetic3A_611 : i32
      %mul3A_613 = arith.constant 128 : i32
      %mul3A_614 = arith.muli %shift_right_arithmetic3A_612, %mul3A_613 : i32
      %multiple_of3A_615 = tpu.assume_multiple %mul3A_614, 128 : i32
      %dma_start3A_616 = arith.constant 1 : i32
      %dma_start3A_617 = arith.constant 6 : i32
      %dma_start3A_618 = arith.constant 0 : i32
      %dma_start3A_619 = arith.constant 0 : i32
      %dma_start3A_620 = tpu.memref_slice %arg9[%dma_start3A_616, %dma_start3A_617, %dma_start3A_618, %dma_start3A_619] : memref<2x8x16x128xf32, #tpu.memory_space<vmem>> -> memref<1x1x16x128xf32, #tpu.memory_space<vmem>>
      %dma_start3A_621 = tpu.memref_squeeze %dma_start3A_620 : memref<1x1x16x128xf32, #tpu.memory_space<vmem>> -> memref<16x128xf32, #tpu.memory_space<vmem>>
      %dma_start3A_622 = arith.constant 0 : i32
      %dma_start3A_623 = tpu.memref_slice %arg3[%dma_start3A_622, %multiple_of3A_610] : memref<16x1000000xf32, #tpu.memory_space<hbm>> -> memref<16x128xf32, #tpu.memory_space<hbm>>
      %dma_start3A_624 = arith.constant 0 : i32
      %dma_start3A_625 = arith.constant 0 : i32
      %dma_start3A_626 = tpu.memref_slice %arg9[%dma_start3A_616, %dma_start3A_617, %dma_start3A_624, %dma_start3A_625] : memref<2x8x16x128xf32, #tpu.memory_space<vmem>> -> memref<1x1x16x128xf32, #tpu.memory_space<vmem>>
      %dma_start3A_627 = tpu.memref_squeeze %dma_start3A_626 : memref<1x1x16x128xf32, #tpu.memory_space<vmem>> -> memref<16x128xf32, #tpu.memory_space<vmem>>
      %dma_start3A_628 = arith.constant 0 : i32
      %dma_start3A_629 = tpu.memref_slice %arg3[%dma_start3A_628, %multiple_of3A_610] : memref<16x1000000xf32, #tpu.memory_space<hbm>> -> memref<16x128xf32, #tpu.memory_space<hbm>>
      tpu.enqueue_dma source(%dma_start3A_629 : memref<16x128xf32, #tpu.memory_space<hbm>>) target(%dma_start3A_627 : memref<16x128xf32, #tpu.memory_space<vmem>>) target_semaphore(%arg13 : memref<!tpu.dma_semaphore, #tpu.memory_space<semaphore_mem>>)
      %dma_start3A_630 = arith.constant 1 : i32
      %dma_start3A_631 = arith.constant 6 : i32
      %dma_start3A_632 = arith.constant 0 : i32
      %dma_start3A_633 = arith.constant 0 : i32
      %dma_start3A_634 = tpu.memref_slice %arg10[%dma_start3A_630, %dma_start3A_631, %dma_start3A_632, %dma_start3A_633] : memref<2x8x16x128xf32, #tpu.memory_space<vmem>> -> memref<1x1x16x128xf32, #tpu.memory_space<vmem>>
      %dma_start3A_635 = tpu.memref_squeeze %dma_start3A_634 : memref<1x1x16x128xf32, #tpu.memory_space<vmem>> -> memref<16x128xf32, #tpu.memory_space<vmem>>
      %dma_start3A_636 = arith.constant 0 : i32
      %dma_start3A_637 = tpu.memref_slice %arg4[%dma_start3A_636, %multiple_of3A_615] : memref<16x1000000xf32, #tpu.memory_space<hbm>> -> memref<16x128xf32, #tpu.memory_space<hbm>>
      %dma_start3A_638 = arith.constant 0 : i32
      %dma_start3A_639 = arith.constant 0 : i32
      %dma_start3A_640 = tpu.memref_slice %arg10[%dma_start3A_630, %dma_start3A_631, %dma_start3A_638, %dma_start3A_639] : memref<2x8x16x128xf32, #tpu.memory_space<vmem>> -> memref<1x1x16x128xf32, #tpu.memory_space<vmem>>
      %dma_start3A_641 = tpu.memref_squeeze %dma_start3A_640 : memref<1x1x16x128xf32, #tpu.memory_space<vmem>> -> memref<16x128xf32, #tpu.memory_space<vmem>>
      %dma_start3A_642 = arith.constant 0 : i32
      %dma_start3A_643 = tpu.memref_slice %arg4[%dma_start3A_642, %multiple_of3A_615] : memref<16x1000000xf32, #tpu.memory_space<hbm>> -> memref<16x128xf32, #tpu.memory_space<hbm>>
      tpu.enqueue_dma source(%dma_start3A_643 : memref<16x128xf32, #tpu.memory_space<hbm>>) target(%dma_start3A_641 : memref<16x128xf32, #tpu.memory_space<vmem>>) target_semaphore(%arg13 : memref<!tpu.dma_semaphore, #tpu.memory_space<semaphore_mem>>)
      %slice3A_644 = vector.extract_strided_slice %get3A_347 {offsets = [15], sizes = [1], strides = [1]} : vector<16xi32> to vector<1xi32>
      %squeeze3A_645 = vector.extract %slice3A_644[0] : i32 from vector<1xi32>
      %slice3A_646 = vector.extract_strided_slice %get3A_349 {offsets = [15], sizes = [1], strides = [1]} : vector<16xi32> to vector<1xi32>
      %squeeze3A_647 = vector.extract %slice3A_646[0] : i32 from vector<1xi32>
      %shift_right_arithmetic3A_648 = arith.constant 7 : i32
      %shift_right_arithmetic3A_649 = arith.shrsi %squeeze3A_645, %shift_right_arithmetic3A_648 : i32
      %mul3A_650 = arith.constant 128 : i32
      %mul3A_651 = arith.muli %shift_right_arithmetic3A_649, %mul3A_650 : i32
      %multiple_of3A_652 = tpu.assume_multiple %mul3A_651, 128 : i32
      %shift_right_arithmetic3A_653 = arith.constant 7 : i32
      %shift_right_arithmetic3A_654 = arith.shrsi %squeeze3A_647, %shift_right_arithmetic3A_653 : i32
      %mul3A_655 = arith.constant 128 : i32
      %mul3A_656 = arith.muli %shift_right_arithmetic3A_654, %mul3A_655 : i32
      %multiple_of3A_657 = tpu.assume_multiple %mul3A_656, 128 : i32
      %dma_start3A_658 = arith.constant 1 : i32
      %dma_start3A_659 = arith.constant 7 : i32
      %dma_start3A_660 = arith.constant 0 : i32
      %dma_start3A_661 = arith.constant 0 : i32
      %dma_start3A_662 = tpu.memref_slice %arg9[%dma_start3A_658, %dma_start3A_659, %dma_start3A_660, %dma_start3A_661] : memref<2x8x16x128xf32, #tpu.memory_space<vmem>> -> memref<1x1x16x128xf32, #tpu.memory_space<vmem>>
      %dma_start3A_663 = tpu.memref_squeeze %dma_start3A_662 : memref<1x1x16x128xf32, #tpu.memory_space<vmem>> -> memref<16x128xf32, #tpu.memory_space<vmem>>
      %dma_start3A_664 = arith.constant 0 : i32
      %dma_start3A_665 = tpu.memref_slice %arg3[%dma_start3A_664, %multiple_of3A_652] : memref<16x1000000xf32, #tpu.memory_space<hbm>> -> memref<16x128xf32, #tpu.memory_space<hbm>>
      %dma_start3A_666 = arith.constant 0 : i32
      %dma_start3A_667 = arith.constant 0 : i32
      %dma_start3A_668 = tpu.memref_slice %arg9[%dma_start3A_658, %dma_start3A_659, %dma_start3A_666, %dma_start3A_667] : memref<2x8x16x128xf32, #tpu.memory_space<vmem>> -> memref<1x1x16x128xf32, #tpu.memory_space<vmem>>
      %dma_start3A_669 = tpu.memref_squeeze %dma_start3A_668 : memref<1x1x16x128xf32, #tpu.memory_space<vmem>> -> memref<16x128xf32, #tpu.memory_space<vmem>>
      %dma_start3A_670 = arith.constant 0 : i32
      %dma_start3A_671 = tpu.memref_slice %arg3[%dma_start3A_670, %multiple_of3A_652] : memref<16x1000000xf32, #tpu.memory_space<hbm>> -> memref<16x128xf32, #tpu.memory_space<hbm>>
      tpu.enqueue_dma source(%dma_start3A_671 : memref<16x128xf32, #tpu.memory_space<hbm>>) target(%dma_start3A_669 : memref<16x128xf32, #tpu.memory_space<vmem>>) target_semaphore(%arg13 : memref<!tpu.dma_semaphore, #tpu.memory_space<semaphore_mem>>)
      %dma_start3A_672 = arith.constant 1 : i32
      %dma_start3A_673 = arith.constant 7 : i32
      %dma_start3A_674 = arith.constant 0 : i32
      %dma_start3A_675 = arith.constant 0 : i32
      %dma_start3A_676 = tpu.memref_slice %arg10[%dma_start3A_672, %dma_start3A_673, %dma_start3A_674, %dma_start3A_675] : memref<2x8x16x128xf32, #tpu.memory_space<vmem>> -> memref<1x1x16x128xf32, #tpu.memory_space<vmem>>
      %dma_start3A_677 = tpu.memref_squeeze %dma_start3A_676 : memref<1x1x16x128xf32, #tpu.memory_space<vmem>> -> memref<16x128xf32, #tpu.memory_space<vmem>>
      %dma_start3A_678 = arith.constant 0 : i32
      %dma_start3A_679 = tpu.memref_slice %arg4[%dma_start3A_678, %multiple_of3A_657] : memref<16x1000000xf32, #tpu.memory_space<hbm>> -> memref<16x128xf32, #tpu.memory_space<hbm>>
      %dma_start3A_680 = arith.constant 0 : i32
      %dma_start3A_681 = arith.constant 0 : i32
      %dma_start3A_682 = tpu.memref_slice %arg10[%dma_start3A_672, %dma_start3A_673, %dma_start3A_680, %dma_start3A_681] : memref<2x8x16x128xf32, #tpu.memory_space<vmem>> -> memref<1x1x16x128xf32, #tpu.memory_space<vmem>>
      %dma_start3A_683 = tpu.memref_squeeze %dma_start3A_682 : memref<1x1x16x128xf32, #tpu.memory_space<vmem>> -> memref<16x128xf32, #tpu.memory_space<vmem>>
      %dma_start3A_684 = arith.constant 0 : i32
      %dma_start3A_685 = tpu.memref_slice %arg4[%dma_start3A_684, %multiple_of3A_657] : memref<16x1000000xf32, #tpu.memory_space<hbm>> -> memref<16x128xf32, #tpu.memory_space<hbm>>
      tpu.enqueue_dma source(%dma_start3A_685 : memref<16x128xf32, #tpu.memory_space<hbm>>) target(%dma_start3A_683 : memref<16x128xf32, #tpu.memory_space<vmem>>) target_semaphore(%arg13 : memref<!tpu.dma_semaphore, #tpu.memory_space<semaphore_mem>>)
      %dma_wait3A = arith.constant 0 : i32
      %dma_wait3A_686 = arith.constant 0 : i32
      %dma_wait3A_687 = arith.constant 0 : i32
      %dma_wait3A_688 = arith.constant 0 : i32
      %dma_wait3A_689 = tpu.memref_slice %arg9[%dma_wait3A, %dma_wait3A_686, %dma_wait3A_687, %dma_wait3A_688] : memref<2x8x16x128xf32, #tpu.memory_space<vmem>> -> memref<1x8x16x128xf32, #tpu.memory_space<vmem>>
      %dma_wait3A_690 = tpu.memref_squeeze %dma_wait3A_689 : memref<1x8x16x128xf32, #tpu.memory_space<vmem>> -> memref<8x16x128xf32, #tpu.memory_space<vmem>>
      %dma_wait3A_691 = arith.constant 0 : i32
      %dma_wait3A_692 = arith.constant 0 : i32
      %dma_wait3A_693 = arith.constant 0 : i32
      %dma_wait3A_694 = tpu.memref_slice %arg9[%dma_wait3A, %dma_wait3A_691, %dma_wait3A_692, %dma_wait3A_693] : memref<2x8x16x128xf32, #tpu.memory_space<vmem>> -> memref<1x8x16x128xf32, #tpu.memory_space<vmem>>
      %dma_wait3A_695 = tpu.memref_squeeze %dma_wait3A_694 : memref<1x8x16x128xf32, #tpu.memory_space<vmem>> -> memref<8x16x128xf32, #tpu.memory_space<vmem>>
      tpu.wait_dma2 semaphore(%arg12 : memref<!tpu.dma_semaphore, #tpu.memory_space<semaphore_mem>>) src(%arg6 : memref<8x16x128xf32, #tpu.memory_space<hbm>>) dst(%dma_wait3A_695 : memref<8x16x128xf32, #tpu.memory_space<vmem>>)
      %dma_wait3A_696 = arith.constant 0 : i32
      %dma_wait3A_697 = arith.constant 0 : i32
      %dma_wait3A_698 = arith.constant 0 : i32
      %dma_wait3A_699 = arith.constant 0 : i32
      %dma_wait3A_700 = tpu.memref_slice %arg10[%dma_wait3A_696, %dma_wait3A_697, %dma_wait3A_698, %dma_wait3A_699] : memref<2x8x16x128xf32, #tpu.memory_space<vmem>> -> memref<1x8x16x128xf32, #tpu.memory_space<vmem>>
      %dma_wait3A_701 = tpu.memref_squeeze %dma_wait3A_700 : memref<1x8x16x128xf32, #tpu.memory_space<vmem>> -> memref<8x16x128xf32, #tpu.memory_space<vmem>>
      %dma_wait3A_702 = arith.constant 0 : i32
      %dma_wait3A_703 = arith.constant 0 : i32
      %dma_wait3A_704 = arith.constant 0 : i32
      %dma_wait3A_705 = tpu.memref_slice %arg10[%dma_wait3A_696, %dma_wait3A_702, %dma_wait3A_703, %dma_wait3A_704] : memref<2x8x16x128xf32, #tpu.memory_space<vmem>> -> memref<1x8x16x128xf32, #tpu.memory_space<vmem>>
      %dma_wait3A_706 = tpu.memref_squeeze %dma_wait3A_705 : memref<1x8x16x128xf32, #tpu.memory_space<vmem>> -> memref<8x16x128xf32, #tpu.memory_space<vmem>>
      tpu.wait_dma2 semaphore(%arg12 : memref<!tpu.dma_semaphore, #tpu.memory_space<semaphore_mem>>) src(%arg6 : memref<8x16x128xf32, #tpu.memory_space<hbm>>) dst(%dma_wait3A_706 : memref<8x16x128xf32, #tpu.memory_space<vmem>>)
      %broadcast_in_dim3A = arith.constant 0.000000e+00 : f32
      %broadcast_in_dim3A_707 = vector.broadcast %broadcast_in_dim3A : f32 to vector<16xf32>
      %slice3A_708 = vector.extract_strided_slice %get3A_347 {offsets = [0], sizes = [1], strides = [1]} : vector<16xi32> to vector<1xi32>
      %squeeze3A_709 = vector.extract %slice3A_708[0] : i32 from vector<1xi32>
      %and3A = arith.constant 127 : i32
      %and3A_710 = arith.andi %squeeze3A_709, %and3A : i32
      %broadcast_in_dim3A_711 = vector.broadcast %and3A_710 : i32 to vector<16xi32>
      %slice3A_712 = vector.extract_strided_slice %get3A_349 {offsets = [0], sizes = [1], strides = [1]} : vector<16xi32> to vector<1xi32>
      %squeeze3A_713 = vector.extract %slice3A_712[0] : i32 from vector<1xi32>
      %and3A_714 = arith.constant 127 : i32
      %and3A_715 = arith.andi %squeeze3A_713, %and3A_714 : i32
      %broadcast_in_dim3A_716 = vector.broadcast %and3A_715 : i32 to vector<16xi32>
      %broadcast_in_dim3A_717 = arith.constant 0 : i32
      %broadcast_in_dim3A_718 = vector.broadcast %broadcast_in_dim3A_717 : i32 to vector<16xi32>
      %broadcast_in_dim3A_719 = arith.constant 0 : i32
      %broadcast_in_dim3A_720 = vector.broadcast %broadcast_in_dim3A_719 : i32 to vector<16xi32>
      %gather3A = tpu.vector_load_idx %arg9[%broadcast_in_dim3A_720, %broadcast_in_dim3A_718, %iota3A, %broadcast_in_dim3A_711] : memref<2x8x16x128xf32, #tpu.memory_space<vmem>>[vector<16xi32>, vector<16xi32>, vector<16xi32>, vector<16xi32>], vector<16xf32>,
      %gather3A_721 = tpu.vector_load_idx %arg10[%broadcast_in_dim3A_720, %broadcast_in_dim3A_718, %iota3A, %broadcast_in_dim3A_716] : memref<2x8x16x128xf32, #tpu.memory_space<vmem>>[vector<16xi32>, vector<16xi32>, vector<16xi32>, vector<16xi32>], vector<16xf32>,
      %eq3A = arith.constant 0 : i32
      %eq3A_722 = vector.broadcast %eq3A : i32 to vector<16xi32>
      %eq3A_723 = arith.cmpi eq, %iota3A, %eq3A_722 : vector<16xi32>
      %mul3A_724 = arith.mulf %gather3A, %gather3A_721 : vector<16xf32>
      %reduce_sum3A = arith.constant true
      %reduce_sum3A_725 = vector.broadcast %reduce_sum3A : i1 to vector<16xi1>
      %reduce_sum3A_726 = tpu.scan <sum>, %mul3A_724 masked %reduce_sum3A_725 : vector<16xf32>, vector<16xi1> -> vector<16xf32>
      %reduce_sum3A_727 = vector.extract %reduce_sum3A_726[15] : f32 from vector<16xf32>
      %broadcast_in_dim3A_728 = vector.broadcast %reduce_sum3A_727 : f32 to vector<16xf32>
      %select_n3A = arith.select %eq3A_723, %broadcast_in_dim3A_728, %broadcast_in_dim3A_707 : vector<16xi1>, vector<16xf32>
      %slice3A_729 = vector.extract_strided_slice %get3A_347 {offsets = [1], sizes = [1], strides = [1]} : vector<16xi32> to vector<1xi32>
      %squeeze3A_730 = vector.extract %slice3A_729[0] : i32 from vector<1xi32>
      %and3A_731 = arith.constant 127 : i32
      %and3A_732 = arith.andi %squeeze3A_730, %and3A_731 : i32
      %broadcast_in_dim3A_733 = vector.broadcast %and3A_732 : i32 to vector<16xi32>
      %slice3A_734 = vector.extract_strided_slice %get3A_349 {offsets = [1], sizes = [1], strides = [1]} : vector<16xi32> to vector<1xi32>
      %squeeze3A_735 = vector.extract %slice3A_734[0] : i32 from vector<1xi32>
      %and3A_736 = arith.constant 127 : i32
      %and3A_737 = arith.andi %squeeze3A_735, %and3A_736 : i32
      %broadcast_in_dim3A_738 = vector.broadcast %and3A_737 : i32 to vector<16xi32>
      %broadcast_in_dim3A_739 = arith.constant 1 : i32
      %broadcast_in_dim3A_740 = vector.broadcast %broadcast_in_dim3A_739 : i32 to vector<16xi32>
      %broadcast_in_dim3A_741 = arith.constant 0 : i32
      %broadcast_in_dim3A_742 = vector.broadcast %broadcast_in_dim3A_741 : i32 to vector<16xi32>
      %gather3A_743 = tpu.vector_load_idx %arg9[%broadcast_in_dim3A_742, %broadcast_in_dim3A_740, %iota3A, %broadcast_in_dim3A_733] : memref<2x8x16x128xf32, #tpu.memory_space<vmem>>[vector<16xi32>, vector<16xi32>, vector<16xi32>, vector<16xi32>], vector<16xf32>,
      %gather3A_744 = tpu.vector_load_idx %arg10[%broadcast_in_dim3A_742, %broadcast_in_dim3A_740, %iota3A, %broadcast_in_dim3A_738] : memref<2x8x16x128xf32, #tpu.memory_space<vmem>>[vector<16xi32>, vector<16xi32>, vector<16xi32>, vector<16xi32>], vector<16xf32>,
      %eq3A_745 = arith.constant 1 : i32
      %eq3A_746 = vector.broadcast %eq3A_745 : i32 to vector<16xi32>
      %eq3A_747 = arith.cmpi eq, %iota3A, %eq3A_746 : vector<16xi32>
      %mul3A_748 = arith.mulf %gather3A_743, %gather3A_744 : vector<16xf32>
      %reduce_sum3A_749 = arith.constant true
      %reduce_sum3A_750 = vector.broadcast %reduce_sum3A_749 : i1 to vector<16xi1>
      %reduce_sum3A_751 = tpu.scan <sum>, %mul3A_748 masked %reduce_sum3A_750 : vector<16xf32>, vector<16xi1> -> vector<16xf32>
      %reduce_sum3A_752 = vector.extract %reduce_sum3A_751[15] : f32 from vector<16xf32>
      %broadcast_in_dim3A_753 = vector.broadcast %reduce_sum3A_752 : f32 to vector<16xf32>
      %select_n3A_754 = arith.select %eq3A_747, %broadcast_in_dim3A_753, %select_n3A : vector<16xi1>, vector<16xf32>
      %slice3A_755 = vector.extract_strided_slice %get3A_347 {offsets = [2], sizes = [1], strides = [1]} : vector<16xi32> to vector<1xi32>
      %squeeze3A_756 = vector.extract %slice3A_755[0] : i32 from vector<1xi32>
      %and3A_757 = arith.constant 127 : i32
      %and3A_758 = arith.andi %squeeze3A_756, %and3A_757 : i32
      %broadcast_in_dim3A_759 = vector.broadcast %and3A_758 : i32 to vector<16xi32>
      %slice3A_760 = vector.extract_strided_slice %get3A_349 {offsets = [2], sizes = [1], strides = [1]} : vector<16xi32> to vector<1xi32>
      %squeeze3A_761 = vector.extract %slice3A_760[0] : i32 from vector<1xi32>
      %and3A_762 = arith.constant 127 : i32
      %and3A_763 = arith.andi %squeeze3A_761, %and3A_762 : i32
      %broadcast_in_dim3A_764 = vector.broadcast %and3A_763 : i32 to vector<16xi32>
      %broadcast_in_dim3A_765 = arith.constant 2 : i32
      %broadcast_in_dim3A_766 = vector.broadcast %broadcast_in_dim3A_765 : i32 to vector<16xi32>
      %broadcast_in_dim3A_767 = arith.constant 0 : i32
      %broadcast_in_dim3A_768 = vector.broadcast %broadcast_in_dim3A_767 : i32 to vector<16xi32>
      %gather3A_769 = tpu.vector_load_idx %arg9[%broadcast_in_dim3A_768, %broadcast_in_dim3A_766, %iota3A, %broadcast_in_dim3A_759] : memref<2x8x16x128xf32, #tpu.memory_space<vmem>>[vector<16xi32>, vector<16xi32>, vector<16xi32>, vector<16xi32>], vector<16xf32>,
      %gather3A_770 = tpu.vector_load_idx %arg10[%broadcast_in_dim3A_768, %broadcast_in_dim3A_766, %iota3A, %broadcast_in_dim3A_764] : memref<2x8x16x128xf32, #tpu.memory_space<vmem>>[vector<16xi32>, vector<16xi32>, vector<16xi32>, vector<16xi32>], vector<16xf32>,
      %eq3A_771 = arith.constant 2 : i32
      %eq3A_772 = vector.broadcast %eq3A_771 : i32 to vector<16xi32>
      %eq3A_773 = arith.cmpi eq, %iota3A, %eq3A_772 : vector<16xi32>
      %mul3A_774 = arith.mulf %gather3A_769, %gather3A_770 : vector<16xf32>
      %reduce_sum3A_775 = arith.constant true
      %reduce_sum3A_776 = vector.broadcast %reduce_sum3A_775 : i1 to vector<16xi1>
      %reduce_sum3A_777 = tpu.scan <sum>, %mul3A_774 masked %reduce_sum3A_776 : vector<16xf32>, vector<16xi1> -> vector<16xf32>
      %reduce_sum3A_778 = vector.extract %reduce_sum3A_777[15] : f32 from vector<16xf32>
      %broadcast_in_dim3A_779 = vector.broadcast %reduce_sum3A_778 : f32 to vector<16xf32>
      %select_n3A_780 = arith.select %eq3A_773, %broadcast_in_dim3A_779, %select_n3A_754 : vector<16xi1>, vector<16xf32>
      %slice3A_781 = vector.extract_strided_slice %get3A_347 {offsets = [3], sizes = [1], strides = [1]} : vector<16xi32> to vector<1xi32>
      %squeeze3A_782 = vector.extract %slice3A_781[0] : i32 from vector<1xi32>
      %and3A_783 = arith.constant 127 : i32
      %and3A_784 = arith.andi %squeeze3A_782, %and3A_783 : i32
      %broadcast_in_dim3A_785 = vector.broadcast %and3A_784 : i32 to vector<16xi32>
      %slice3A_786 = vector.extract_strided_slice %get3A_349 {offsets = [3], sizes = [1], strides = [1]} : vector<16xi32> to vector<1xi32>
      %squeeze3A_787 = vector.extract %slice3A_786[0] : i32 from vector<1xi32>
      %and3A_788 = arith.constant 127 : i32
      %and3A_789 = arith.andi %squeeze3A_787, %and3A_788 : i32
      %broadcast_in_dim3A_790 = vector.broadcast %and3A_789 : i32 to vector<16xi32>
      %broadcast_in_dim3A_791 = arith.constant 3 : i32
      %broadcast_in_dim3A_792 = vector.broadcast %broadcast_in_dim3A_791 : i32 to vector<16xi32>
      %broadcast_in_dim3A_793 = arith.constant 0 : i32
      %broadcast_in_dim3A_794 = vector.broadcast %broadcast_in_dim3A_793 : i32 to vector<16xi32>
      %gather3A_795 = tpu.vector_load_idx %arg9[%broadcast_in_dim3A_794, %broadcast_in_dim3A_792, %iota3A, %broadcast_in_dim3A_785] : memref<2x8x16x128xf32, #tpu.memory_space<vmem>>[vector<16xi32>, vector<16xi32>, vector<16xi32>, vector<16xi32>], vector<16xf32>,
      %gather3A_796 = tpu.vector_load_idx %arg10[%broadcast_in_dim3A_794, %broadcast_in_dim3A_792, %iota3A, %broadcast_in_dim3A_790] : memref<2x8x16x128xf32, #tpu.memory_space<vmem>>[vector<16xi32>, vector<16xi32>, vector<16xi32>, vector<16xi32>], vector<16xf32>,
      %eq3A_797 = arith.constant 3 : i32
      %eq3A_798 = vector.broadcast %eq3A_797 : i32 to vector<16xi32>
      %eq3A_799 = arith.cmpi eq, %iota3A, %eq3A_798 : vector<16xi32>
      %mul3A_800 = arith.mulf %gather3A_795, %gather3A_796 : vector<16xf32>
      %reduce_sum3A_801 = arith.constant true
      %reduce_sum3A_802 = vector.broadcast %reduce_sum3A_801 : i1 to vector<16xi1>
      %reduce_sum3A_803 = tpu.scan <sum>, %mul3A_800 masked %reduce_sum3A_802 : vector<16xf32>, vector<16xi1> -> vector<16xf32>
      %reduce_sum3A_804 = vector.extract %reduce_sum3A_803[15] : f32 from vector<16xf32>
      %broadcast_in_dim3A_805 = vector.broadcast %reduce_sum3A_804 : f32 to vector<16xf32>
      %select_n3A_806 = arith.select %eq3A_799, %broadcast_in_dim3A_805, %select_n3A_780 : vector<16xi1>, vector<16xf32>
      %slice3A_807 = vector.extract_strided_slice %get3A_347 {offsets = [4], sizes = [1], strides = [1]} : vector<16xi32> to vector<1xi32>
      %squeeze3A_808 = vector.extract %slice3A_807[0] : i32 from vector<1xi32>
      %and3A_809 = arith.constant 127 : i32
      %and3A_810 = arith.andi %squeeze3A_808, %and3A_809 : i32
      %broadcast_in_dim3A_811 = vector.broadcast %and3A_810 : i32 to vector<16xi32>
      %slice3A_812 = vector.extract_strided_slice %get3A_349 {offsets = [4], sizes = [1], strides = [1]} : vector<16xi32> to vector<1xi32>
      %squeeze3A_813 = vector.extract %slice3A_812[0] : i32 from vector<1xi32>
      %and3A_814 = arith.constant 127 : i32
      %and3A_815 = arith.andi %squeeze3A_813, %and3A_814 : i32
      %broadcast_in_dim3A_816 = vector.broadcast %and3A_815 : i32 to vector<16xi32>
      %broadcast_in_dim3A_817 = arith.constant 4 : i32
      %broadcast_in_dim3A_818 = vector.broadcast %broadcast_in_dim3A_817 : i32 to vector<16xi32>
      %broadcast_in_dim3A_819 = arith.constant 0 : i32
      %broadcast_in_dim3A_820 = vector.broadcast %broadcast_in_dim3A_819 : i32 to vector<16xi32>
      %gather3A_821 = tpu.vector_load_idx %arg9[%broadcast_in_dim3A_820, %broadcast_in_dim3A_818, %iota3A, %broadcast_in_dim3A_811] : memref<2x8x16x128xf32, #tpu.memory_space<vmem>>[vector<16xi32>, vector<16xi32>, vector<16xi32>, vector<16xi32>], vector<16xf32>,
      %gather3A_822 = tpu.vector_load_idx %arg10[%broadcast_in_dim3A_820, %broadcast_in_dim3A_818, %iota3A, %broadcast_in_dim3A_816] : memref<2x8x16x128xf32, #tpu.memory_space<vmem>>[vector<16xi32>, vector<16xi32>, vector<16xi32>, vector<16xi32>], vector<16xf32>,
      %eq3A_823 = arith.constant 4 : i32
      %eq3A_824 = vector.broadcast %eq3A_823 : i32 to vector<16xi32>
      %eq3A_825 = arith.cmpi eq, %iota3A, %eq3A_824 : vector<16xi32>
      %mul3A_826 = arith.mulf %gather3A_821, %gather3A_822 : vector<16xf32>
      %reduce_sum3A_827 = arith.constant true
      %reduce_sum3A_828 = vector.broadcast %reduce_sum3A_827 : i1 to vector<16xi1>
      %reduce_sum3A_829 = tpu.scan <sum>, %mul3A_826 masked %reduce_sum3A_828 : vector<16xf32>, vector<16xi1> -> vector<16xf32>
      %reduce_sum3A_830 = vector.extract %reduce_sum3A_829[15] : f32 from vector<16xf32>
      %broadcast_in_dim3A_831 = vector.broadcast %reduce_sum3A_830 : f32 to vector<16xf32>
      %select_n3A_832 = arith.select %eq3A_825, %broadcast_in_dim3A_831, %select_n3A_806 : vector<16xi1>, vector<16xf32>
      %slice3A_833 = vector.extract_strided_slice %get3A_347 {offsets = [5], sizes = [1], strides = [1]} : vector<16xi32> to vector<1xi32>
      %squeeze3A_834 = vector.extract %slice3A_833[0] : i32 from vector<1xi32>
      %and3A_835 = arith.constant 127 : i32
      %and3A_836 = arith.andi %squeeze3A_834, %and3A_835 : i32
      %broadcast_in_dim3A_837 = vector.broadcast %and3A_836 : i32 to vector<16xi32>
      %slice3A_838 = vector.extract_strided_slice %get3A_349 {offsets = [5], sizes = [1], strides = [1]} : vector<16xi32> to vector<1xi32>
      %squeeze3A_839 = vector.extract %slice3A_838[0] : i32 from vector<1xi32>
      %and3A_840 = arith.constant 127 : i32
      %and3A_841 = arith.andi %squeeze3A_839, %and3A_840 : i32
      %broadcast_in_dim3A_842 = vector.broadcast %and3A_841 : i32 to vector<16xi32>
      %broadcast_in_dim3A_843 = arith.constant 5 : i32
      %broadcast_in_dim3A_844 = vector.broadcast %broadcast_in_dim3A_843 : i32 to vector<16xi32>
      %broadcast_in_dim3A_845 = arith.constant 0 : i32
      %broadcast_in_dim3A_846 = vector.broadcast %broadcast_in_dim3A_845 : i32 to vector<16xi32>
      %gather3A_847 = tpu.vector_load_idx %arg9[%broadcast_in_dim3A_846, %broadcast_in_dim3A_844, %iota3A, %broadcast_in_dim3A_837] : memref<2x8x16x128xf32, #tpu.memory_space<vmem>>[vector<16xi32>, vector<16xi32>, vector<16xi32>, vector<16xi32>], vector<16xf32>,
      %gather3A_848 = tpu.vector_load_idx %arg10[%broadcast_in_dim3A_846, %broadcast_in_dim3A_844, %iota3A, %broadcast_in_dim3A_842] : memref<2x8x16x128xf32, #tpu.memory_space<vmem>>[vector<16xi32>, vector<16xi32>, vector<16xi32>, vector<16xi32>], vector<16xf32>,
      %eq3A_849 = arith.constant 5 : i32
      %eq3A_850 = vector.broadcast %eq3A_849 : i32 to vector<16xi32>
      %eq3A_851 = arith.cmpi eq, %iota3A, %eq3A_850 : vector<16xi32>
      %mul3A_852 = arith.mulf %gather3A_847, %gather3A_848 : vector<16xf32>
      %reduce_sum3A_853 = arith.constant true
      %reduce_sum3A_854 = vector.broadcast %reduce_sum3A_853 : i1 to vector<16xi1>
      %reduce_sum3A_855 = tpu.scan <sum>, %mul3A_852 masked %reduce_sum3A_854 : vector<16xf32>, vector<16xi1> -> vector<16xf32>
      %reduce_sum3A_856 = vector.extract %reduce_sum3A_855[15] : f32 from vector<16xf32>
      %broadcast_in_dim3A_857 = vector.broadcast %reduce_sum3A_856 : f32 to vector<16xf32>
      %select_n3A_858 = arith.select %eq3A_851, %broadcast_in_dim3A_857, %select_n3A_832 : vector<16xi1>, vector<16xf32>
      %slice3A_859 = vector.extract_strided_slice %get3A_347 {offsets = [6], sizes = [1], strides = [1]} : vector<16xi32> to vector<1xi32>
      %squeeze3A_860 = vector.extract %slice3A_859[0] : i32 from vector<1xi32>
      %and3A_861 = arith.constant 127 : i32
      %and3A_862 = arith.andi %squeeze3A_860, %and3A_861 : i32
      %broadcast_in_dim3A_863 = vector.broadcast %and3A_862 : i32 to vector<16xi32>
      %slice3A_864 = vector.extract_strided_slice %get3A_349 {offsets = [6], sizes = [1], strides = [1]} : vector<16xi32> to vector<1xi32>
      %squeeze3A_865 = vector.extract %slice3A_864[0] : i32 from vector<1xi32>
      %and3A_866 = arith.constant 127 : i32
      %and3A_867 = arith.andi %squeeze3A_865, %and3A_866 : i32
      %broadcast_in_dim3A_868 = vector.broadcast %and3A_867 : i32 to vector<16xi32>
      %broadcast_in_dim3A_869 = arith.constant 6 : i32
      %broadcast_in_dim3A_870 = vector.broadcast %broadcast_in_dim3A_869 : i32 to vector<16xi32>
      %broadcast_in_dim3A_871 = arith.constant 0 : i32
      %broadcast_in_dim3A_872 = vector.broadcast %broadcast_in_dim3A_871 : i32 to vector<16xi32>
      %gather3A_873 = tpu.vector_load_idx %arg9[%broadcast_in_dim3A_872, %broadcast_in_dim3A_870, %iota3A, %broadcast_in_dim3A_863] : memref<2x8x16x128xf32, #tpu.memory_space<vmem>>[vector<16xi32>, vector<16xi32>, vector<16xi32>, vector<16xi32>], vector<16xf32>,
      %gather3A_874 = tpu.vector_load_idx %arg10[%broadcast_in_dim3A_872, %broadcast_in_dim3A_870, %iota3A, %broadcast_in_dim3A_868] : memref<2x8x16x128xf32, #tpu.memory_space<vmem>>[vector<16xi32>, vector<16xi32>, vector<16xi32>, vector<16xi32>], vector<16xf32>,
      %eq3A_875 = arith.constant 6 : i32
      %eq3A_876 = vector.broadcast %eq3A_875 : i32 to vector<16xi32>
      %eq3A_877 = arith.cmpi eq, %iota3A, %eq3A_876 : vector<16xi32>
      %mul3A_878 = arith.mulf %gather3A_873, %gather3A_874 : vector<16xf32>
      %reduce_sum3A_879 = arith.constant true
      %reduce_sum3A_880 = vector.broadcast %reduce_sum3A_879 : i1 to vector<16xi1>
      %reduce_sum3A_881 = tpu.scan <sum>, %mul3A_878 masked %reduce_sum3A_880 : vector<16xf32>, vector<16xi1> -> vector<16xf32>
      %reduce_sum3A_882 = vector.extract %reduce_sum3A_881[15] : f32 from vector<16xf32>
      %broadcast_in_dim3A_883 = vector.broadcast %reduce_sum3A_882 : f32 to vector<16xf32>
      %select_n3A_884 = arith.select %eq3A_877, %broadcast_in_dim3A_883, %select_n3A_858 : vector<16xi1>, vector<16xf32>
      %slice3A_885 = vector.extract_strided_slice %get3A_347 {offsets = [7], sizes = [1], strides = [1]} : vector<16xi32> to vector<1xi32>
      %squeeze3A_886 = vector.extract %slice3A_885[0] : i32 from vector<1xi32>
      %and3A_887 = arith.constant 127 : i32
      %and3A_888 = arith.andi %squeeze3A_886, %and3A_887 : i32
      %broadcast_in_dim3A_889 = vector.broadcast %and3A_888 : i32 to vector<16xi32>
      %slice3A_890 = vector.extract_strided_slice %get3A_349 {offsets = [7], sizes = [1], strides = [1]} : vector<16xi32> to vector<1xi32>
      %squeeze3A_891 = vector.extract %slice3A_890[0] : i32 from vector<1xi32>
      %and3A_892 = arith.constant 127 : i32
      %and3A_893 = arith.andi %squeeze3A_891, %and3A_892 : i32
      %broadcast_in_dim3A_894 = vector.broadcast %and3A_893 : i32 to vector<16xi32>
      %broadcast_in_dim3A_895 = arith.constant 7 : i32
      %broadcast_in_dim3A_896 = vector.broadcast %broadcast_in_dim3A_895 : i32 to vector<16xi32>
      %broadcast_in_dim3A_897 = arith.constant 0 : i32
      %broadcast_in_dim3A_898 = vector.broadcast %broadcast_in_dim3A_897 : i32 to vector<16xi32>
      %gather3A_899 = tpu.vector_load_idx %arg9[%broadcast_in_dim3A_898, %broadcast_in_dim3A_896, %iota3A, %broadcast_in_dim3A_889] : memref<2x8x16x128xf32, #tpu.memory_space<vmem>>[vector<16xi32>, vector<16xi32>, vector<16xi32>, vector<16xi32>], vector<16xf32>,
      %gather3A_900 = tpu.vector_load_idx %arg10[%broadcast_in_dim3A_898, %broadcast_in_dim3A_896, %iota3A, %broadcast_in_dim3A_894] : memref<2x8x16x128xf32, #tpu.memory_space<vmem>>[vector<16xi32>, vector<16xi32>, vector<16xi32>, vector<16xi32>], vector<16xf32>,
      %eq3A_901 = arith.constant 7 : i32
      %eq3A_902 = vector.broadcast %eq3A_901 : i32 to vector<16xi32>
      %eq3A_903 = arith.cmpi eq, %iota3A, %eq3A_902 : vector<16xi32>
      %mul3A_904 = arith.mulf %gather3A_899, %gather3A_900 : vector<16xf32>
      %reduce_sum3A_905 = arith.constant true
      %reduce_sum3A_906 = vector.broadcast %reduce_sum3A_905 : i1 to vector<16xi1>
      %reduce_sum3A_907 = tpu.scan <sum>, %mul3A_904 masked %reduce_sum3A_906 : vector<16xf32>, vector<16xi1> -> vector<16xf32>
      %reduce_sum3A_908 = vector.extract %reduce_sum3A_907[15] : f32 from vector<16xf32>
      %broadcast_in_dim3A_909 = vector.broadcast %reduce_sum3A_908 : f32 to vector<16xf32>
      %select_n3A_910 = arith.select %eq3A_903, %broadcast_in_dim3A_909, %select_n3A_884 : vector<16xi1>, vector<16xf32>
      %add3A_911 = arith.constant 1 : i32
      %add3A_912 = arith.addi %scan3A_343, %add3A_911 : i32
      %lt3A = arith.constant 32 : i32
      %lt3A_913 = arith.cmpi slt, %add3A_912, %lt3A : i32
      %convert_element_type3A = arith.extui %lt3A_913 : i1 to i32
      %cond3A = arith.constant 0 : i32
      %cond3A_914 = arith.cmpi ne, %convert_element_type3A, %cond3A : i32
      scf.if %cond3A_914 {
        %add3A_1146 = arith.constant 16 : i32
        %add3A_1147 = arith.addi %mul3A_345, %add3A_1146 : i32
        %get3A_1148 = arith.index_cast %add3A_1147 : i32 to index
        %get3A_1149 = tpu.vector_load %arg7[%get3A_1148] {strides = array<i32>} : memref<512xi32, #tpu.memory_space<vmem>>, vector<16xi32>,
        %add3A_1150 = arith.constant 16 : i32
        %add3A_1151 = arith.addi %mul3A_345, %add3A_1150 : i32
        %get3A_1152 = arith.index_cast %add3A_1151 : i32 to index
        %get3A_1153 = tpu.vector_load %arg8[%get3A_1152] {strides = array<i32>} : memref<512xi32, #tpu.memory_space<vmem>>, vector<16xi32>,
        %slice3A_1154 = vector.extract_strided_slice %get3A_1149 {offsets = [0], sizes = [1], strides = [1]} : vector<16xi32> to vector<1xi32>
        %squeeze3A_1155 = vector.extract %slice3A_1154[0] : i32 from vector<1xi32>
        %slice3A_1156 = vector.extract_strided_slice %get3A_1153 {offsets = [0], sizes = [1], strides = [1]} : vector<16xi32> to vector<1xi32>
        %squeeze3A_1157 = vector.extract %slice3A_1156[0] : i32 from vector<1xi32>
        %shift_right_arithmetic3A_1158 = arith.constant 7 : i32
        %shift_right_arithmetic3A_1159 = arith.shrsi %squeeze3A_1155, %shift_right_arithmetic3A_1158 : i32
        %mul3A_1160 = arith.constant 128 : i32
        %mul3A_1161 = arith.muli %shift_right_arithmetic3A_1159, %mul3A_1160 : i32
        %multiple_of3A_1162 = tpu.assume_multiple %mul3A_1161, 128 : i32
        %shift_right_arithmetic3A_1163 = arith.constant 7 : i32
        %shift_right_arithmetic3A_1164 = arith.shrsi %squeeze3A_1157, %shift_right_arithmetic3A_1163 : i32
        %mul3A_1165 = arith.constant 128 : i32
        %mul3A_1166 = arith.muli %shift_right_arithmetic3A_1164, %mul3A_1165 : i32
        %multiple_of3A_1167 = tpu.assume_multiple %mul3A_1166, 128 : i32
        %dma_start3A_1168 = arith.constant 0 : i32
        %dma_start3A_1169 = arith.constant 0 : i32
        %dma_start3A_1170 = arith.constant 0 : i32
        %dma_start3A_1171 = arith.constant 0 : i32
        %dma_start3A_1172 = tpu.memref_slice %arg9[%dma_start3A_1168, %dma_start3A_1169, %dma_start3A_1170, %dma_start3A_1171] : memref<2x8x16x128xf32, #tpu.memory_space<vmem>> -> memref<1x1x16x128xf32, #tpu.memory_space<vmem>>
        %dma_start3A_1173 = tpu.memref_squeeze %dma_start3A_1172 : memref<1x1x16x128xf32, #tpu.memory_space<vmem>> -> memref<16x128xf32, #tpu.memory_space<vmem>>
        %dma_start3A_1174 = arith.constant 0 : i32
        %dma_start3A_1175 = tpu.memref_slice %arg3[%dma_start3A_1174, %multiple_of3A_1162] : memref<16x1000000xf32, #tpu.memory_space<hbm>> -> memref<16x128xf32, #tpu.memory_space<hbm>>
        %dma_start3A_1176 = arith.constant 0 : i32
        %dma_start3A_1177 = arith.constant 0 : i32
        %dma_start3A_1178 = tpu.memref_slice %arg9[%dma_start3A_1168, %dma_start3A_1169, %dma_start3A_1176, %dma_start3A_1177] : memref<2x8x16x128xf32, #tpu.memory_space<vmem>> -> memref<1x1x16x128xf32, #tpu.memory_space<vmem>>
        %dma_start3A_1179 = tpu.memref_squeeze %dma_start3A_1178 : memref<1x1x16x128xf32, #tpu.memory_space<vmem>> -> memref<16x128xf32, #tpu.memory_space<vmem>>
        %dma_start3A_1180 = arith.constant 0 : i32
        %dma_start3A_1181 = tpu.memref_slice %arg3[%dma_start3A_1180, %multiple_of3A_1162] : memref<16x1000000xf32, #tpu.memory_space<hbm>> -> memref<16x128xf32, #tpu.memory_space<hbm>>
        tpu.enqueue_dma source(%dma_start3A_1181 : memref<16x128xf32, #tpu.memory_space<hbm>>) target(%dma_start3A_1179 : memref<16x128xf32, #tpu.memory_space<vmem>>) target_semaphore(%arg12 : memref<!tpu.dma_semaphore, #tpu.memory_space<semaphore_mem>>)
        %dma_start3A_1182 = arith.constant 0 : i32
        %dma_start3A_1183 = arith.constant 0 : i32
        %dma_start3A_1184 = arith.constant 0 : i32
        %dma_start3A_1185 = arith.constant 0 : i32
        %dma_start3A_1186 = tpu.memref_slice %arg10[%dma_start3A_1182, %dma_start3A_1183, %dma_start3A_1184, %dma_start3A_1185] : memref<2x8x16x128xf32, #tpu.memory_space<vmem>> -> memref<1x1x16x128xf32, #tpu.memory_space<vmem>>
        %dma_start3A_1187 = tpu.memref_squeeze %dma_start3A_1186 : memref<1x1x16x128xf32, #tpu.memory_space<vmem>> -> memref<16x128xf32, #tpu.memory_space<vmem>>
        %dma_start3A_1188 = arith.constant 0 : i32
        %dma_start3A_1189 = tpu.memref_slice %arg4[%dma_start3A_1188, %multiple_of3A_1167] : memref<16x1000000xf32, #tpu.memory_space<hbm>> -> memref<16x128xf32, #tpu.memory_space<hbm>>
        %dma_start3A_1190 = arith.constant 0 : i32
        %dma_start3A_1191 = arith.constant 0 : i32
        %dma_start3A_1192 = tpu.memref_slice %arg10[%dma_start3A_1182, %dma_start3A_1183, %dma_start3A_1190, %dma_start3A_1191] : memref<2x8x16x128xf32, #tpu.memory_space<vmem>> -> memref<1x1x16x128xf32, #tpu.memory_space<vmem>>
        %dma_start3A_1193 = tpu.memref_squeeze %dma_start3A_1192 : memref<1x1x16x128xf32, #tpu.memory_space<vmem>> -> memref<16x128xf32, #tpu.memory_space<vmem>>
        %dma_start3A_1194 = arith.constant 0 : i32
        %dma_start3A_1195 = tpu.memref_slice %arg4[%dma_start3A_1194, %multiple_of3A_1167] : memref<16x1000000xf32, #tpu.memory_space<hbm>> -> memref<16x128xf32, #tpu.memory_space<hbm>>
        tpu.enqueue_dma source(%dma_start3A_1195 : memref<16x128xf32, #tpu.memory_space<hbm>>) target(%dma_start3A_1193 : memref<16x128xf32, #tpu.memory_space<vmem>>) target_semaphore(%arg12 : memref<!tpu.dma_semaphore, #tpu.memory_space<semaphore_mem>>)
        %slice3A_1196 = vector.extract_strided_slice %get3A_1149 {offsets = [1], sizes = [1], strides = [1]} : vector<16xi32> to vector<1xi32>
        %squeeze3A_1197 = vector.extract %slice3A_1196[0] : i32 from vector<1xi32>
        %slice3A_1198 = vector.extract_strided_slice %get3A_1153 {offsets = [1], sizes = [1], strides = [1]} : vector<16xi32> to vector<1xi32>
        %squeeze3A_1199 = vector.extract %slice3A_1198[0] : i32 from vector<1xi32>
        %shift_right_arithmetic3A_1200 = arith.constant 7 : i32
        %shift_right_arithmetic3A_1201 = arith.shrsi %squeeze3A_1197, %shift_right_arithmetic3A_1200 : i32
        %mul3A_1202 = arith.constant 128 : i32
        %mul3A_1203 = arith.muli %shift_right_arithmetic3A_1201, %mul3A_1202 : i32
        %multiple_of3A_1204 = tpu.assume_multiple %mul3A_1203, 128 : i32
        %shift_right_arithmetic3A_1205 = arith.constant 7 : i32
        %shift_right_arithmetic3A_1206 = arith.shrsi %squeeze3A_1199, %shift_right_arithmetic3A_1205 : i32
        %mul3A_1207 = arith.constant 128 : i32
        %mul3A_1208 = arith.muli %shift_right_arithmetic3A_1206, %mul3A_1207 : i32
        %multiple_of3A_1209 = tpu.assume_multiple %mul3A_1208, 128 : i32
        %dma_start3A_1210 = arith.constant 0 : i32
        %dma_start3A_1211 = arith.constant 1 : i32
        %dma_start3A_1212 = arith.constant 0 : i32
        %dma_start3A_1213 = arith.constant 0 : i32
        %dma_start3A_1214 = tpu.memref_slice %arg9[%dma_start3A_1210, %dma_start3A_1211, %dma_start3A_1212, %dma_start3A_1213] : memref<2x8x16x128xf32, #tpu.memory_space<vmem>> -> memref<1x1x16x128xf32, #tpu.memory_space<vmem>>
        %dma_start3A_1215 = tpu.memref_squeeze %dma_start3A_1214 : memref<1x1x16x128xf32, #tpu.memory_space<vmem>> -> memref<16x128xf32, #tpu.memory_space<vmem>>
        %dma_start3A_1216 = arith.constant 0 : i32
        %dma_start3A_1217 = tpu.memref_slice %arg3[%dma_start3A_1216, %multiple_of3A_1204] : memref<16x1000000xf32, #tpu.memory_space<hbm>> -> memref<16x128xf32, #tpu.memory_space<hbm>>
        %dma_start3A_1218 = arith.constant 0 : i32
        %dma_start3A_1219 = arith.constant 0 : i32
        %dma_start3A_1220 = tpu.memref_slice %arg9[%dma_start3A_1210, %dma_start3A_1211, %dma_start3A_1218, %dma_start3A_1219] : memref<2x8x16x128xf32, #tpu.memory_space<vmem>> -> memref<1x1x16x128xf32, #tpu.memory_space<vmem>>
        %dma_start3A_1221 = tpu.memref_squeeze %dma_start3A_1220 : memref<1x1x16x128xf32, #tpu.memory_space<vmem>> -> memref<16x128xf32, #tpu.memory_space<vmem>>
        %dma_start3A_1222 = arith.constant 0 : i32
        %dma_start3A_1223 = tpu.memref_slice %arg3[%dma_start3A_1222, %multiple_of3A_1204] : memref<16x1000000xf32, #tpu.memory_space<hbm>> -> memref<16x128xf32, #tpu.memory_space<hbm>>
        tpu.enqueue_dma source(%dma_start3A_1223 : memref<16x128xf32, #tpu.memory_space<hbm>>) target(%dma_start3A_1221 : memref<16x128xf32, #tpu.memory_space<vmem>>) target_semaphore(%arg12 : memref<!tpu.dma_semaphore, #tpu.memory_space<semaphore_mem>>)
        %dma_start3A_1224 = arith.constant 0 : i32
        %dma_start3A_1225 = arith.constant 1 : i32
        %dma_start3A_1226 = arith.constant 0 : i32
        %dma_start3A_1227 = arith.constant 0 : i32
        %dma_start3A_1228 = tpu.memref_slice %arg10[%dma_start3A_1224, %dma_start3A_1225, %dma_start3A_1226, %dma_start3A_1227] : memref<2x8x16x128xf32, #tpu.memory_space<vmem>> -> memref<1x1x16x128xf32, #tpu.memory_space<vmem>>
        %dma_start3A_1229 = tpu.memref_squeeze %dma_start3A_1228 : memref<1x1x16x128xf32, #tpu.memory_space<vmem>> -> memref<16x128xf32, #tpu.memory_space<vmem>>
        %dma_start3A_1230 = arith.constant 0 : i32
        %dma_start3A_1231 = tpu.memref_slice %arg4[%dma_start3A_1230, %multiple_of3A_1209] : memref<16x1000000xf32, #tpu.memory_space<hbm>> -> memref<16x128xf32, #tpu.memory_space<hbm>>
        %dma_start3A_1232 = arith.constant 0 : i32
        %dma_start3A_1233 = arith.constant 0 : i32
        %dma_start3A_1234 = tpu.memref_slice %arg10[%dma_start3A_1224, %dma_start3A_1225, %dma_start3A_1232, %dma_start3A_1233] : memref<2x8x16x128xf32, #tpu.memory_space<vmem>> -> memref<1x1x16x128xf32, #tpu.memory_space<vmem>>
        %dma_start3A_1235 = tpu.memref_squeeze %dma_start3A_1234 : memref<1x1x16x128xf32, #tpu.memory_space<vmem>> -> memref<16x128xf32, #tpu.memory_space<vmem>>
        %dma_start3A_1236 = arith.constant 0 : i32
        %dma_start3A_1237 = tpu.memref_slice %arg4[%dma_start3A_1236, %multiple_of3A_1209] : memref<16x1000000xf32, #tpu.memory_space<hbm>> -> memref<16x128xf32, #tpu.memory_space<hbm>>
        tpu.enqueue_dma source(%dma_start3A_1237 : memref<16x128xf32, #tpu.memory_space<hbm>>) target(%dma_start3A_1235 : memref<16x128xf32, #tpu.memory_space<vmem>>) target_semaphore(%arg12 : memref<!tpu.dma_semaphore, #tpu.memory_space<semaphore_mem>>)
        %slice3A_1238 = vector.extract_strided_slice %get3A_1149 {offsets = [2], sizes = [1], strides = [1]} : vector<16xi32> to vector<1xi32>
        %squeeze3A_1239 = vector.extract %slice3A_1238[0] : i32 from vector<1xi32>
        %slice3A_1240 = vector.extract_strided_slice %get3A_1153 {offsets = [2], sizes = [1], strides = [1]} : vector<16xi32> to vector<1xi32>
        %squeeze3A_1241 = vector.extract %slice3A_1240[0] : i32 from vector<1xi32>
        %shift_right_arithmetic3A_1242 = arith.constant 7 : i32
        %shift_right_arithmetic3A_1243 = arith.shrsi %squeeze3A_1239, %shift_right_arithmetic3A_1242 : i32
        %mul3A_1244 = arith.constant 128 : i32
        %mul3A_1245 = arith.muli %shift_right_arithmetic3A_1243, %mul3A_1244 : i32
        %multiple_of3A_1246 = tpu.assume_multiple %mul3A_1245, 128 : i32
        %shift_right_arithmetic3A_1247 = arith.constant 7 : i32
        %shift_right_arithmetic3A_1248 = arith.shrsi %squeeze3A_1241, %shift_right_arithmetic3A_1247 : i32
        %mul3A_1249 = arith.constant 128 : i32
        %mul3A_1250 = arith.muli %shift_right_arithmetic3A_1248, %mul3A_1249 : i32
        %multiple_of3A_1251 = tpu.assume_multiple %mul3A_1250, 128 : i32
        %dma_start3A_1252 = arith.constant 0 : i32
        %dma_start3A_1253 = arith.constant 2 : i32
        %dma_start3A_1254 = arith.constant 0 : i32
        %dma_start3A_1255 = arith.constant 0 : i32
        %dma_start3A_1256 = tpu.memref_slice %arg9[%dma_start3A_1252, %dma_start3A_1253, %dma_start3A_1254, %dma_start3A_1255] : memref<2x8x16x128xf32, #tpu.memory_space<vmem>> -> memref<1x1x16x128xf32, #tpu.memory_space<vmem>>
        %dma_start3A_1257 = tpu.memref_squeeze %dma_start3A_1256 : memref<1x1x16x128xf32, #tpu.memory_space<vmem>> -> memref<16x128xf32, #tpu.memory_space<vmem>>
        %dma_start3A_1258 = arith.constant 0 : i32
        %dma_start3A_1259 = tpu.memref_slice %arg3[%dma_start3A_1258, %multiple_of3A_1246] : memref<16x1000000xf32, #tpu.memory_space<hbm>> -> memref<16x128xf32, #tpu.memory_space<hbm>>
        %dma_start3A_1260 = arith.constant 0 : i32
        %dma_start3A_1261 = arith.constant 0 : i32
        %dma_start3A_1262 = tpu.memref_slice %arg9[%dma_start3A_1252, %dma_start3A_1253, %dma_start3A_1260, %dma_start3A_1261] : memref<2x8x16x128xf32, #tpu.memory_space<vmem>> -> memref<1x1x16x128xf32, #tpu.memory_space<vmem>>
        %dma_start3A_1263 = tpu.memref_squeeze %dma_start3A_1262 : memref<1x1x16x128xf32, #tpu.memory_space<vmem>> -> memref<16x128xf32, #tpu.memory_space<vmem>>
        %dma_start3A_1264 = arith.constant 0 : i32
        %dma_start3A_1265 = tpu.memref_slice %arg3[%dma_start3A_1264, %multiple_of3A_1246] : memref<16x1000000xf32, #tpu.memory_space<hbm>> -> memref<16x128xf32, #tpu.memory_space<hbm>>
        tpu.enqueue_dma source(%dma_start3A_1265 : memref<16x128xf32, #tpu.memory_space<hbm>>) target(%dma_start3A_1263 : memref<16x128xf32, #tpu.memory_space<vmem>>) target_semaphore(%arg12 : memref<!tpu.dma_semaphore, #tpu.memory_space<semaphore_mem>>)
        %dma_start3A_1266 = arith.constant 0 : i32
        %dma_start3A_1267 = arith.constant 2 : i32
        %dma_start3A_1268 = arith.constant 0 : i32
        %dma_start3A_1269 = arith.constant 0 : i32
        %dma_start3A_1270 = tpu.memref_slice %arg10[%dma_start3A_1266, %dma_start3A_1267, %dma_start3A_1268, %dma_start3A_1269] : memref<2x8x16x128xf32, #tpu.memory_space<vmem>> -> memref<1x1x16x128xf32, #tpu.memory_space<vmem>>
        %dma_start3A_1271 = tpu.memref_squeeze %dma_start3A_1270 : memref<1x1x16x128xf32, #tpu.memory_space<vmem>> -> memref<16x128xf32, #tpu.memory_space<vmem>>
        %dma_start3A_1272 = arith.constant 0 : i32
        %dma_start3A_1273 = tpu.memref_slice %arg4[%dma_start3A_1272, %multiple_of3A_1251] : memref<16x1000000xf32, #tpu.memory_space<hbm>> -> memref<16x128xf32, #tpu.memory_space<hbm>>
        %dma_start3A_1274 = arith.constant 0 : i32
        %dma_start3A_1275 = arith.constant 0 : i32
        %dma_start3A_1276 = tpu.memref_slice %arg10[%dma_start3A_1266, %dma_start3A_1267, %dma_start3A_1274, %dma_start3A_1275] : memref<2x8x16x128xf32, #tpu.memory_space<vmem>> -> memref<1x1x16x128xf32, #tpu.memory_space<vmem>>
        %dma_start3A_1277 = tpu.memref_squeeze %dma_start3A_1276 : memref<1x1x16x128xf32, #tpu.memory_space<vmem>> -> memref<16x128xf32, #tpu.memory_space<vmem>>
        %dma_start3A_1278 = arith.constant 0 : i32
        %dma_start3A_1279 = tpu.memref_slice %arg4[%dma_start3A_1278, %multiple_of3A_1251] : memref<16x1000000xf32, #tpu.memory_space<hbm>> -> memref<16x128xf32, #tpu.memory_space<hbm>>
        tpu.enqueue_dma source(%dma_start3A_1279 : memref<16x128xf32, #tpu.memory_space<hbm>>) target(%dma_start3A_1277 : memref<16x128xf32, #tpu.memory_space<vmem>>) target_semaphore(%arg12 : memref<!tpu.dma_semaphore, #tpu.memory_space<semaphore_mem>>)
        %slice3A_1280 = vector.extract_strided_slice %get3A_1149 {offsets = [3], sizes = [1], strides = [1]} : vector<16xi32> to vector<1xi32>
        %squeeze3A_1281 = vector.extract %slice3A_1280[0] : i32 from vector<1xi32>
        %slice3A_1282 = vector.extract_strided_slice %get3A_1153 {offsets = [3], sizes = [1], strides = [1]} : vector<16xi32> to vector<1xi32>
        %squeeze3A_1283 = vector.extract %slice3A_1282[0] : i32 from vector<1xi32>
        %shift_right_arithmetic3A_1284 = arith.constant 7 : i32
        %shift_right_arithmetic3A_1285 = arith.shrsi %squeeze3A_1281, %shift_right_arithmetic3A_1284 : i32
        %mul3A_1286 = arith.constant 128 : i32
        %mul3A_1287 = arith.muli %shift_right_arithmetic3A_1285, %mul3A_1286 : i32
        %multiple_of3A_1288 = tpu.assume_multiple %mul3A_1287, 128 : i32
        %shift_right_arithmetic3A_1289 = arith.constant 7 : i32
        %shift_right_arithmetic3A_1290 = arith.shrsi %squeeze3A_1283, %shift_right_arithmetic3A_1289 : i32
        %mul3A_1291 = arith.constant 128 : i32
        %mul3A_1292 = arith.muli %shift_right_arithmetic3A_1290, %mul3A_1291 : i32
        %multiple_of3A_1293 = tpu.assume_multiple %mul3A_1292, 128 : i32
        %dma_start3A_1294 = arith.constant 0 : i32
        %dma_start3A_1295 = arith.constant 3 : i32
        %dma_start3A_1296 = arith.constant 0 : i32
        %dma_start3A_1297 = arith.constant 0 : i32
        %dma_start3A_1298 = tpu.memref_slice %arg9[%dma_start3A_1294, %dma_start3A_1295, %dma_start3A_1296, %dma_start3A_1297] : memref<2x8x16x128xf32, #tpu.memory_space<vmem>> -> memref<1x1x16x128xf32, #tpu.memory_space<vmem>>
        %dma_start3A_1299 = tpu.memref_squeeze %dma_start3A_1298 : memref<1x1x16x128xf32, #tpu.memory_space<vmem>> -> memref<16x128xf32, #tpu.memory_space<vmem>>
        %dma_start3A_1300 = arith.constant 0 : i32
        %dma_start3A_1301 = tpu.memref_slice %arg3[%dma_start3A_1300, %multiple_of3A_1288] : memref<16x1000000xf32, #tpu.memory_space<hbm>> -> memref<16x128xf32, #tpu.memory_space<hbm>>
        %dma_start3A_1302 = arith.constant 0 : i32
        %dma_start3A_1303 = arith.constant 0 : i32
        %dma_start3A_1304 = tpu.memref_slice %arg9[%dma_start3A_1294, %dma_start3A_1295, %dma_start3A_1302, %dma_start3A_1303] : memref<2x8x16x128xf32, #tpu.memory_space<vmem>> -> memref<1x1x16x128xf32, #tpu.memory_space<vmem>>
        %dma_start3A_1305 = tpu.memref_squeeze %dma_start3A_1304 : memref<1x1x16x128xf32, #tpu.memory_space<vmem>> -> memref<16x128xf32, #tpu.memory_space<vmem>>
        %dma_start3A_1306 = arith.constant 0 : i32
        %dma_start3A_1307 = tpu.memref_slice %arg3[%dma_start3A_1306, %multiple_of3A_1288] : memref<16x1000000xf32, #tpu.memory_space<hbm>> -> memref<16x128xf32, #tpu.memory_space<hbm>>
        tpu.enqueue_dma source(%dma_start3A_1307 : memref<16x128xf32, #tpu.memory_space<hbm>>) target(%dma_start3A_1305 : memref<16x128xf32, #tpu.memory_space<vmem>>) target_semaphore(%arg12 : memref<!tpu.dma_semaphore, #tpu.memory_space<semaphore_mem>>)
        %dma_start3A_1308 = arith.constant 0 : i32
        %dma_start3A_1309 = arith.constant 3 : i32
        %dma_start3A_1310 = arith.constant 0 : i32
        %dma_start3A_1311 = arith.constant 0 : i32
        %dma_start3A_1312 = tpu.memref_slice %arg10[%dma_start3A_1308, %dma_start3A_1309, %dma_start3A_1310, %dma_start3A_1311] : memref<2x8x16x128xf32, #tpu.memory_space<vmem>> -> memref<1x1x16x128xf32, #tpu.memory_space<vmem>>
        %dma_start3A_1313 = tpu.memref_squeeze %dma_start3A_1312 : memref<1x1x16x128xf32, #tpu.memory_space<vmem>> -> memref<16x128xf32, #tpu.memory_space<vmem>>
        %dma_start3A_1314 = arith.constant 0 : i32
        %dma_start3A_1315 = tpu.memref_slice %arg4[%dma_start3A_1314, %multiple_of3A_1293] : memref<16x1000000xf32, #tpu.memory_space<hbm>> -> memref<16x128xf32, #tpu.memory_space<hbm>>
        %dma_start3A_1316 = arith.constant 0 : i32
        %dma_start3A_1317 = arith.constant 0 : i32
        %dma_start3A_1318 = tpu.memref_slice %arg10[%dma_start3A_1308, %dma_start3A_1309, %dma_start3A_1316, %dma_start3A_1317] : memref<2x8x16x128xf32, #tpu.memory_space<vmem>> -> memref<1x1x16x128xf32, #tpu.memory_space<vmem>>
        %dma_start3A_1319 = tpu.memref_squeeze %dma_start3A_1318 : memref<1x1x16x128xf32, #tpu.memory_space<vmem>> -> memref<16x128xf32, #tpu.memory_space<vmem>>
        %dma_start3A_1320 = arith.constant 0 : i32
        %dma_start3A_1321 = tpu.memref_slice %arg4[%dma_start3A_1320, %multiple_of3A_1293] : memref<16x1000000xf32, #tpu.memory_space<hbm>> -> memref<16x128xf32, #tpu.memory_space<hbm>>
        tpu.enqueue_dma source(%dma_start3A_1321 : memref<16x128xf32, #tpu.memory_space<hbm>>) target(%dma_start3A_1319 : memref<16x128xf32, #tpu.memory_space<vmem>>) target_semaphore(%arg12 : memref<!tpu.dma_semaphore, #tpu.memory_space<semaphore_mem>>)
        %slice3A_1322 = vector.extract_strided_slice %get3A_1149 {offsets = [4], sizes = [1], strides = [1]} : vector<16xi32> to vector<1xi32>
        %squeeze3A_1323 = vector.extract %slice3A_1322[0] : i32 from vector<1xi32>
        %slice3A_1324 = vector.extract_strided_slice %get3A_1153 {offsets = [4], sizes = [1], strides = [1]} : vector<16xi32> to vector<1xi32>
        %squeeze3A_1325 = vector.extract %slice3A_1324[0] : i32 from vector<1xi32>
        %shift_right_arithmetic3A_1326 = arith.constant 7 : i32
        %shift_right_arithmetic3A_1327 = arith.shrsi %squeeze3A_1323, %shift_right_arithmetic3A_1326 : i32
        %mul3A_1328 = arith.constant 128 : i32
        %mul3A_1329 = arith.muli %shift_right_arithmetic3A_1327, %mul3A_1328 : i32
        %multiple_of3A_1330 = tpu.assume_multiple %mul3A_1329, 128 : i32
        %shift_right_arithmetic3A_1331 = arith.constant 7 : i32
        %shift_right_arithmetic3A_1332 = arith.shrsi %squeeze3A_1325, %shift_right_arithmetic3A_1331 : i32
        %mul3A_1333 = arith.constant 128 : i32
        %mul3A_1334 = arith.muli %shift_right_arithmetic3A_1332, %mul3A_1333 : i32
        %multiple_of3A_1335 = tpu.assume_multiple %mul3A_1334, 128 : i32
        %dma_start3A_1336 = arith.constant 0 : i32
        %dma_start3A_1337 = arith.constant 4 : i32
        %dma_start3A_1338 = arith.constant 0 : i32
        %dma_start3A_1339 = arith.constant 0 : i32
        %dma_start3A_1340 = tpu.memref_slice %arg9[%dma_start3A_1336, %dma_start3A_1337, %dma_start3A_1338, %dma_start3A_1339] : memref<2x8x16x128xf32, #tpu.memory_space<vmem>> -> memref<1x1x16x128xf32, #tpu.memory_space<vmem>>
        %dma_start3A_1341 = tpu.memref_squeeze %dma_start3A_1340 : memref<1x1x16x128xf32, #tpu.memory_space<vmem>> -> memref<16x128xf32, #tpu.memory_space<vmem>>
        %dma_start3A_1342 = arith.constant 0 : i32
        %dma_start3A_1343 = tpu.memref_slice %arg3[%dma_start3A_1342, %multiple_of3A_1330] : memref<16x1000000xf32, #tpu.memory_space<hbm>> -> memref<16x128xf32, #tpu.memory_space<hbm>>
        %dma_start3A_1344 = arith.constant 0 : i32
        %dma_start3A_1345 = arith.constant 0 : i32
        %dma_start3A_1346 = tpu.memref_slice %arg9[%dma_start3A_1336, %dma_start3A_1337, %dma_start3A_1344, %dma_start3A_1345] : memref<2x8x16x128xf32, #tpu.memory_space<vmem>> -> memref<1x1x16x128xf32, #tpu.memory_space<vmem>>
        %dma_start3A_1347 = tpu.memref_squeeze %dma_start3A_1346 : memref<1x1x16x128xf32, #tpu.memory_space<vmem>> -> memref<16x128xf32, #tpu.memory_space<vmem>>
        %dma_start3A_1348 = arith.constant 0 : i32
        %dma_start3A_1349 = tpu.memref_slice %arg3[%dma_start3A_1348, %multiple_of3A_1330] : memref<16x1000000xf32, #tpu.memory_space<hbm>> -> memref<16x128xf32, #tpu.memory_space<hbm>>
        tpu.enqueue_dma source(%dma_start3A_1349 : memref<16x128xf32, #tpu.memory_space<hbm>>) target(%dma_start3A_1347 : memref<16x128xf32, #tpu.memory_space<vmem>>) target_semaphore(%arg12 : memref<!tpu.dma_semaphore, #tpu.memory_space<semaphore_mem>>)
        %dma_start3A_1350 = arith.constant 0 : i32
        %dma_start3A_1351 = arith.constant 4 : i32
        %dma_start3A_1352 = arith.constant 0 : i32
        %dma_start3A_1353 = arith.constant 0 : i32
        %dma_start3A_1354 = tpu.memref_slice %arg10[%dma_start3A_1350, %dma_start3A_1351, %dma_start3A_1352, %dma_start3A_1353] : memref<2x8x16x128xf32, #tpu.memory_space<vmem>> -> memref<1x1x16x128xf32, #tpu.memory_space<vmem>>
        %dma_start3A_1355 = tpu.memref_squeeze %dma_start3A_1354 : memref<1x1x16x128xf32, #tpu.memory_space<vmem>> -> memref<16x128xf32, #tpu.memory_space<vmem>>
        %dma_start3A_1356 = arith.constant 0 : i32
        %dma_start3A_1357 = tpu.memref_slice %arg4[%dma_start3A_1356, %multiple_of3A_1335] : memref<16x1000000xf32, #tpu.memory_space<hbm>> -> memref<16x128xf32, #tpu.memory_space<hbm>>
        %dma_start3A_1358 = arith.constant 0 : i32
        %dma_start3A_1359 = arith.constant 0 : i32
        %dma_start3A_1360 = tpu.memref_slice %arg10[%dma_start3A_1350, %dma_start3A_1351, %dma_start3A_1358, %dma_start3A_1359] : memref<2x8x16x128xf32, #tpu.memory_space<vmem>> -> memref<1x1x16x128xf32, #tpu.memory_space<vmem>>
        %dma_start3A_1361 = tpu.memref_squeeze %dma_start3A_1360 : memref<1x1x16x128xf32, #tpu.memory_space<vmem>> -> memref<16x128xf32, #tpu.memory_space<vmem>>
        %dma_start3A_1362 = arith.constant 0 : i32
        %dma_start3A_1363 = tpu.memref_slice %arg4[%dma_start3A_1362, %multiple_of3A_1335] : memref<16x1000000xf32, #tpu.memory_space<hbm>> -> memref<16x128xf32, #tpu.memory_space<hbm>>
        tpu.enqueue_dma source(%dma_start3A_1363 : memref<16x128xf32, #tpu.memory_space<hbm>>) target(%dma_start3A_1361 : memref<16x128xf32, #tpu.memory_space<vmem>>) target_semaphore(%arg12 : memref<!tpu.dma_semaphore, #tpu.memory_space<semaphore_mem>>)
        %slice3A_1364 = vector.extract_strided_slice %get3A_1149 {offsets = [5], sizes = [1], strides = [1]} : vector<16xi32> to vector<1xi32>
        %squeeze3A_1365 = vector.extract %slice3A_1364[0] : i32 from vector<1xi32>
        %slice3A_1366 = vector.extract_strided_slice %get3A_1153 {offsets = [5], sizes = [1], strides = [1]} : vector<16xi32> to vector<1xi32>
        %squeeze3A_1367 = vector.extract %slice3A_1366[0] : i32 from vector<1xi32>
        %shift_right_arithmetic3A_1368 = arith.constant 7 : i32
        %shift_right_arithmetic3A_1369 = arith.shrsi %squeeze3A_1365, %shift_right_arithmetic3A_1368 : i32
        %mul3A_1370 = arith.constant 128 : i32
        %mul3A_1371 = arith.muli %shift_right_arithmetic3A_1369, %mul3A_1370 : i32
        %multiple_of3A_1372 = tpu.assume_multiple %mul3A_1371, 128 : i32
        %shift_right_arithmetic3A_1373 = arith.constant 7 : i32
        %shift_right_arithmetic3A_1374 = arith.shrsi %squeeze3A_1367, %shift_right_arithmetic3A_1373 : i32
        %mul3A_1375 = arith.constant 128 : i32
        %mul3A_1376 = arith.muli %shift_right_arithmetic3A_1374, %mul3A_1375 : i32
        %multiple_of3A_1377 = tpu.assume_multiple %mul3A_1376, 128 : i32
        %dma_start3A_1378 = arith.constant 0 : i32
        %dma_start3A_1379 = arith.constant 5 : i32
        %dma_start3A_1380 = arith.constant 0 : i32
        %dma_start3A_1381 = arith.constant 0 : i32
        %dma_start3A_1382 = tpu.memref_slice %arg9[%dma_start3A_1378, %dma_start3A_1379, %dma_start3A_1380, %dma_start3A_1381] : memref<2x8x16x128xf32, #tpu.memory_space<vmem>> -> memref<1x1x16x128xf32, #tpu.memory_space<vmem>>
        %dma_start3A_1383 = tpu.memref_squeeze %dma_start3A_1382 : memref<1x1x16x128xf32, #tpu.memory_space<vmem>> -> memref<16x128xf32, #tpu.memory_space<vmem>>
        %dma_start3A_1384 = arith.constant 0 : i32
        %dma_start3A_1385 = tpu.memref_slice %arg3[%dma_start3A_1384, %multiple_of3A_1372] : memref<16x1000000xf32, #tpu.memory_space<hbm>> -> memref<16x128xf32, #tpu.memory_space<hbm>>
        %dma_start3A_1386 = arith.constant 0 : i32
        %dma_start3A_1387 = arith.constant 0 : i32
        %dma_start3A_1388 = tpu.memref_slice %arg9[%dma_start3A_1378, %dma_start3A_1379, %dma_start3A_1386, %dma_start3A_1387] : memref<2x8x16x128xf32, #tpu.memory_space<vmem>> -> memref<1x1x16x128xf32, #tpu.memory_space<vmem>>
        %dma_start3A_1389 = tpu.memref_squeeze %dma_start3A_1388 : memref<1x1x16x128xf32, #tpu.memory_space<vmem>> -> memref<16x128xf32, #tpu.memory_space<vmem>>
        %dma_start3A_1390 = arith.constant 0 : i32
        %dma_start3A_1391 = tpu.memref_slice %arg3[%dma_start3A_1390, %multiple_of3A_1372] : memref<16x1000000xf32, #tpu.memory_space<hbm>> -> memref<16x128xf32, #tpu.memory_space<hbm>>
        tpu.enqueue_dma source(%dma_start3A_1391 : memref<16x128xf32, #tpu.memory_space<hbm>>) target(%dma_start3A_1389 : memref<16x128xf32, #tpu.memory_space<vmem>>) target_semaphore(%arg12 : memref<!tpu.dma_semaphore, #tpu.memory_space<semaphore_mem>>)
        %dma_start3A_1392 = arith.constant 0 : i32
        %dma_start3A_1393 = arith.constant 5 : i32
        %dma_start3A_1394 = arith.constant 0 : i32
        %dma_start3A_1395 = arith.constant 0 : i32
        %dma_start3A_1396 = tpu.memref_slice %arg10[%dma_start3A_1392, %dma_start3A_1393, %dma_start3A_1394, %dma_start3A_1395] : memref<2x8x16x128xf32, #tpu.memory_space<vmem>> -> memref<1x1x16x128xf32, #tpu.memory_space<vmem>>
        %dma_start3A_1397 = tpu.memref_squeeze %dma_start3A_1396 : memref<1x1x16x128xf32, #tpu.memory_space<vmem>> -> memref<16x128xf32, #tpu.memory_space<vmem>>
        %dma_start3A_1398 = arith.constant 0 : i32
        %dma_start3A_1399 = tpu.memref_slice %arg4[%dma_start3A_1398, %multiple_of3A_1377] : memref<16x1000000xf32, #tpu.memory_space<hbm>> -> memref<16x128xf32, #tpu.memory_space<hbm>>
        %dma_start3A_1400 = arith.constant 0 : i32
        %dma_start3A_1401 = arith.constant 0 : i32
        %dma_start3A_1402 = tpu.memref_slice %arg10[%dma_start3A_1392, %dma_start3A_1393, %dma_start3A_1400, %dma_start3A_1401] : memref<2x8x16x128xf32, #tpu.memory_space<vmem>> -> memref<1x1x16x128xf32, #tpu.memory_space<vmem>>
        %dma_start3A_1403 = tpu.memref_squeeze %dma_start3A_1402 : memref<1x1x16x128xf32, #tpu.memory_space<vmem>> -> memref<16x128xf32, #tpu.memory_space<vmem>>
        %dma_start3A_1404 = arith.constant 0 : i32
        %dma_start3A_1405 = tpu.memref_slice %arg4[%dma_start3A_1404, %multiple_of3A_1377] : memref<16x1000000xf32, #tpu.memory_space<hbm>> -> memref<16x128xf32, #tpu.memory_space<hbm>>
        tpu.enqueue_dma source(%dma_start3A_1405 : memref<16x128xf32, #tpu.memory_space<hbm>>) target(%dma_start3A_1403 : memref<16x128xf32, #tpu.memory_space<vmem>>) target_semaphore(%arg12 : memref<!tpu.dma_semaphore, #tpu.memory_space<semaphore_mem>>)
        %slice3A_1406 = vector.extract_strided_slice %get3A_1149 {offsets = [6], sizes = [1], strides = [1]} : vector<16xi32> to vector<1xi32>
        %squeeze3A_1407 = vector.extract %slice3A_1406[0] : i32 from vector<1xi32>
        %slice3A_1408 = vector.extract_strided_slice %get3A_1153 {offsets = [6], sizes = [1], strides = [1]} : vector<16xi32> to vector<1xi32>
        %squeeze3A_1409 = vector.extract %slice3A_1408[0] : i32 from vector<1xi32>
        %shift_right_arithmetic3A_1410 = arith.constant 7 : i32
        %shift_right_arithmetic3A_1411 = arith.shrsi %squeeze3A_1407, %shift_right_arithmetic3A_1410 : i32
        %mul3A_1412 = arith.constant 128 : i32
        %mul3A_1413 = arith.muli %shift_right_arithmetic3A_1411, %mul3A_1412 : i32
        %multiple_of3A_1414 = tpu.assume_multiple %mul3A_1413, 128 : i32
        %shift_right_arithmetic3A_1415 = arith.constant 7 : i32
        %shift_right_arithmetic3A_1416 = arith.shrsi %squeeze3A_1409, %shift_right_arithmetic3A_1415 : i32
        %mul3A_1417 = arith.constant 128 : i32
        %mul3A_1418 = arith.muli %shift_right_arithmetic3A_1416, %mul3A_1417 : i32
        %multiple_of3A_1419 = tpu.assume_multiple %mul3A_1418, 128 : i32
        %dma_start3A_1420 = arith.constant 0 : i32
        %dma_start3A_1421 = arith.constant 6 : i32
        %dma_start3A_1422 = arith.constant 0 : i32
        %dma_start3A_1423 = arith.constant 0 : i32
        %dma_start3A_1424 = tpu.memref_slice %arg9[%dma_start3A_1420, %dma_start3A_1421, %dma_start3A_1422, %dma_start3A_1423] : memref<2x8x16x128xf32, #tpu.memory_space<vmem>> -> memref<1x1x16x128xf32, #tpu.memory_space<vmem>>
        %dma_start3A_1425 = tpu.memref_squeeze %dma_start3A_1424 : memref<1x1x16x128xf32, #tpu.memory_space<vmem>> -> memref<16x128xf32, #tpu.memory_space<vmem>>
        %dma_start3A_1426 = arith.constant 0 : i32
        %dma_start3A_1427 = tpu.memref_slice %arg3[%dma_start3A_1426, %multiple_of3A_1414] : memref<16x1000000xf32, #tpu.memory_space<hbm>> -> memref<16x128xf32, #tpu.memory_space<hbm>>
        %dma_start3A_1428 = arith.constant 0 : i32
        %dma_start3A_1429 = arith.constant 0 : i32
        %dma_start3A_1430 = tpu.memref_slice %arg9[%dma_start3A_1420, %dma_start3A_1421, %dma_start3A_1428, %dma_start3A_1429] : memref<2x8x16x128xf32, #tpu.memory_space<vmem>> -> memref<1x1x16x128xf32, #tpu.memory_space<vmem>>
        %dma_start3A_1431 = tpu.memref_squeeze %dma_start3A_1430 : memref<1x1x16x128xf32, #tpu.memory_space<vmem>> -> memref<16x128xf32, #tpu.memory_space<vmem>>
        %dma_start3A_1432 = arith.constant 0 : i32
        %dma_start3A_1433 = tpu.memref_slice %arg3[%dma_start3A_1432, %multiple_of3A_1414] : memref<16x1000000xf32, #tpu.memory_space<hbm>> -> memref<16x128xf32, #tpu.memory_space<hbm>>
        tpu.enqueue_dma source(%dma_start3A_1433 : memref<16x128xf32, #tpu.memory_space<hbm>>) target(%dma_start3A_1431 : memref<16x128xf32, #tpu.memory_space<vmem>>) target_semaphore(%arg12 : memref<!tpu.dma_semaphore, #tpu.memory_space<semaphore_mem>>)
        %dma_start3A_1434 = arith.constant 0 : i32
        %dma_start3A_1435 = arith.constant 6 : i32
        %dma_start3A_1436 = arith.constant 0 : i32
        %dma_start3A_1437 = arith.constant 0 : i32
        %dma_start3A_1438 = tpu.memref_slice %arg10[%dma_start3A_1434, %dma_start3A_1435, %dma_start3A_1436, %dma_start3A_1437] : memref<2x8x16x128xf32, #tpu.memory_space<vmem>> -> memref<1x1x16x128xf32, #tpu.memory_space<vmem>>
        %dma_start3A_1439 = tpu.memref_squeeze %dma_start3A_1438 : memref<1x1x16x128xf32, #tpu.memory_space<vmem>> -> memref<16x128xf32, #tpu.memory_space<vmem>>
        %dma_start3A_1440 = arith.constant 0 : i32
        %dma_start3A_1441 = tpu.memref_slice %arg4[%dma_start3A_1440, %multiple_of3A_1419] : memref<16x1000000xf32, #tpu.memory_space<hbm>> -> memref<16x128xf32, #tpu.memory_space<hbm>>
        %dma_start3A_1442 = arith.constant 0 : i32
        %dma_start3A_1443 = arith.constant 0 : i32
        %dma_start3A_1444 = tpu.memref_slice %arg10[%dma_start3A_1434, %dma_start3A_1435, %dma_start3A_1442, %dma_start3A_1443] : memref<2x8x16x128xf32, #tpu.memory_space<vmem>> -> memref<1x1x16x128xf32, #tpu.memory_space<vmem>>
        %dma_start3A_1445 = tpu.memref_squeeze %dma_start3A_1444 : memref<1x1x16x128xf32, #tpu.memory_space<vmem>> -> memref<16x128xf32, #tpu.memory_space<vmem>>
        %dma_start3A_1446 = arith.constant 0 : i32
        %dma_start3A_1447 = tpu.memref_slice %arg4[%dma_start3A_1446, %multiple_of3A_1419] : memref<16x1000000xf32, #tpu.memory_space<hbm>> -> memref<16x128xf32, #tpu.memory_space<hbm>>
        tpu.enqueue_dma source(%dma_start3A_1447 : memref<16x128xf32, #tpu.memory_space<hbm>>) target(%dma_start3A_1445 : memref<16x128xf32, #tpu.memory_space<vmem>>) target_semaphore(%arg12 : memref<!tpu.dma_semaphore, #tpu.memory_space<semaphore_mem>>)
        %slice3A_1448 = vector.extract_strided_slice %get3A_1149 {offsets = [7], sizes = [1], strides = [1]} : vector<16xi32> to vector<1xi32>
        %squeeze3A_1449 = vector.extract %slice3A_1448[0] : i32 from vector<1xi32>
        %slice3A_1450 = vector.extract_strided_slice %get3A_1153 {offsets = [7], sizes = [1], strides = [1]} : vector<16xi32> to vector<1xi32>
        %squeeze3A_1451 = vector.extract %slice3A_1450[0] : i32 from vector<1xi32>
        %shift_right_arithmetic3A_1452 = arith.constant 7 : i32
        %shift_right_arithmetic3A_1453 = arith.shrsi %squeeze3A_1449, %shift_right_arithmetic3A_1452 : i32
        %mul3A_1454 = arith.constant 128 : i32
        %mul3A_1455 = arith.muli %shift_right_arithmetic3A_1453, %mul3A_1454 : i32
        %multiple_of3A_1456 = tpu.assume_multiple %mul3A_1455, 128 : i32
        %shift_right_arithmetic3A_1457 = arith.constant 7 : i32
        %shift_right_arithmetic3A_1458 = arith.shrsi %squeeze3A_1451, %shift_right_arithmetic3A_1457 : i32
        %mul3A_1459 = arith.constant 128 : i32
        %mul3A_1460 = arith.muli %shift_right_arithmetic3A_1458, %mul3A_1459 : i32
        %multiple_of3A_1461 = tpu.assume_multiple %mul3A_1460, 128 : i32
        %dma_start3A_1462 = arith.constant 0 : i32
        %dma_start3A_1463 = arith.constant 7 : i32
        %dma_start3A_1464 = arith.constant 0 : i32
        %dma_start3A_1465 = arith.constant 0 : i32
        %dma_start3A_1466 = tpu.memref_slice %arg9[%dma_start3A_1462, %dma_start3A_1463, %dma_start3A_1464, %dma_start3A_1465] : memref<2x8x16x128xf32, #tpu.memory_space<vmem>> -> memref<1x1x16x128xf32, #tpu.memory_space<vmem>>
        %dma_start3A_1467 = tpu.memref_squeeze %dma_start3A_1466 : memref<1x1x16x128xf32, #tpu.memory_space<vmem>> -> memref<16x128xf32, #tpu.memory_space<vmem>>
        %dma_start3A_1468 = arith.constant 0 : i32
        %dma_start3A_1469 = tpu.memref_slice %arg3[%dma_start3A_1468, %multiple_of3A_1456] : memref<16x1000000xf32, #tpu.memory_space<hbm>> -> memref<16x128xf32, #tpu.memory_space<hbm>>
        %dma_start3A_1470 = arith.constant 0 : i32
        %dma_start3A_1471 = arith.constant 0 : i32
        %dma_start3A_1472 = tpu.memref_slice %arg9[%dma_start3A_1462, %dma_start3A_1463, %dma_start3A_1470, %dma_start3A_1471] : memref<2x8x16x128xf32, #tpu.memory_space<vmem>> -> memref<1x1x16x128xf32, #tpu.memory_space<vmem>>
        %dma_start3A_1473 = tpu.memref_squeeze %dma_start3A_1472 : memref<1x1x16x128xf32, #tpu.memory_space<vmem>> -> memref<16x128xf32, #tpu.memory_space<vmem>>
        %dma_start3A_1474 = arith.constant 0 : i32
        %dma_start3A_1475 = tpu.memref_slice %arg3[%dma_start3A_1474, %multiple_of3A_1456] : memref<16x1000000xf32, #tpu.memory_space<hbm>> -> memref<16x128xf32, #tpu.memory_space<hbm>>
        tpu.enqueue_dma source(%dma_start3A_1475 : memref<16x128xf32, #tpu.memory_space<hbm>>) target(%dma_start3A_1473 : memref<16x128xf32, #tpu.memory_space<vmem>>) target_semaphore(%arg12 : memref<!tpu.dma_semaphore, #tpu.memory_space<semaphore_mem>>)
        %dma_start3A_1476 = arith.constant 0 : i32
        %dma_start3A_1477 = arith.constant 7 : i32
        %dma_start3A_1478 = arith.constant 0 : i32
        %dma_start3A_1479 = arith.constant 0 : i32
        %dma_start3A_1480 = tpu.memref_slice %arg10[%dma_start3A_1476, %dma_start3A_1477, %dma_start3A_1478, %dma_start3A_1479] : memref<2x8x16x128xf32, #tpu.memory_space<vmem>> -> memref<1x1x16x128xf32, #tpu.memory_space<vmem>>
        %dma_start3A_1481 = tpu.memref_squeeze %dma_start3A_1480 : memref<1x1x16x128xf32, #tpu.memory_space<vmem>> -> memref<16x128xf32, #tpu.memory_space<vmem>>
        %dma_start3A_1482 = arith.constant 0 : i32
        %dma_start3A_1483 = tpu.memref_slice %arg4[%dma_start3A_1482, %multiple_of3A_1461] : memref<16x1000000xf32, #tpu.memory_space<hbm>> -> memref<16x128xf32, #tpu.memory_space<hbm>>
        %dma_start3A_1484 = arith.constant 0 : i32
        %dma_start3A_1485 = arith.constant 0 : i32
        %dma_start3A_1486 = tpu.memref_slice %arg10[%dma_start3A_1476, %dma_start3A_1477, %dma_start3A_1484, %dma_start3A_1485] : memref<2x8x16x128xf32, #tpu.memory_space<vmem>> -> memref<1x1x16x128xf32, #tpu.memory_space<vmem>>
        %dma_start3A_1487 = tpu.memref_squeeze %dma_start3A_1486 : memref<1x1x16x128xf32, #tpu.memory_space<vmem>> -> memref<16x128xf32, #tpu.memory_space<vmem>>
        %dma_start3A_1488 = arith.constant 0 : i32
        %dma_start3A_1489 = tpu.memref_slice %arg4[%dma_start3A_1488, %multiple_of3A_1461] : memref<16x1000000xf32, #tpu.memory_space<hbm>> -> memref<16x128xf32, #tpu.memory_space<hbm>>
        tpu.enqueue_dma source(%dma_start3A_1489 : memref<16x128xf32, #tpu.memory_space<hbm>>) target(%dma_start3A_1487 : memref<16x128xf32, #tpu.memory_space<vmem>>) target_semaphore(%arg12 : memref<!tpu.dma_semaphore, #tpu.memory_space<semaphore_mem>>)
      } else {
      }
      %dma_wait3A_915 = arith.constant 1 : i32
      %dma_wait3A_916 = arith.constant 0 : i32
      %dma_wait3A_917 = arith.constant 0 : i32
      %dma_wait3A_918 = arith.constant 0 : i32
      %dma_wait3A_919 = tpu.memref_slice %arg9[%dma_wait3A_915, %dma_wait3A_916, %dma_wait3A_917, %dma_wait3A_918] : memref<2x8x16x128xf32, #tpu.memory_space<vmem>> -> memref<1x8x16x128xf32, #tpu.memory_space<vmem>>
      %dma_wait3A_920 = tpu.memref_squeeze %dma_wait3A_919 : memref<1x8x16x128xf32, #tpu.memory_space<vmem>> -> memref<8x16x128xf32, #tpu.memory_space<vmem>>
      %dma_wait3A_921 = arith.constant 0 : i32
      %dma_wait3A_922 = arith.constant 0 : i32
      %dma_wait3A_923 = arith.constant 0 : i32
      %dma_wait3A_924 = tpu.memref_slice %arg9[%dma_wait3A_915, %dma_wait3A_921, %dma_wait3A_922, %dma_wait3A_923] : memref<2x8x16x128xf32, #tpu.memory_space<vmem>> -> memref<1x8x16x128xf32, #tpu.memory_space<vmem>>
      %dma_wait3A_925 = tpu.memref_squeeze %dma_wait3A_924 : memref<1x8x16x128xf32, #tpu.memory_space<vmem>> -> memref<8x16x128xf32, #tpu.memory_space<vmem>>
      tpu.wait_dma2 semaphore(%arg13 : memref<!tpu.dma_semaphore, #tpu.memory_space<semaphore_mem>>) src(%arg6 : memref<8x16x128xf32, #tpu.memory_space<hbm>>) dst(%dma_wait3A_925 : memref<8x16x128xf32, #tpu.memory_space<vmem>>)
      %dma_wait3A_926 = arith.constant 1 : i32
      %dma_wait3A_927 = arith.constant 0 : i32
      %dma_wait3A_928 = arith.constant 0 : i32
      %dma_wait3A_929 = arith.constant 0 : i32
      %dma_wait3A_930 = tpu.memref_slice %arg10[%dma_wait3A_926, %dma_wait3A_927, %dma_wait3A_928, %dma_wait3A_929] : memref<2x8x16x128xf32, #tpu.memory_space<vmem>> -> memref<1x8x16x128xf32, #tpu.memory_space<vmem>>
      %dma_wait3A_931 = tpu.memref_squeeze %dma_wait3A_930 : memref<1x8x16x128xf32, #tpu.memory_space<vmem>> -> memref<8x16x128xf32, #tpu.memory_space<vmem>>
      %dma_wait3A_932 = arith.constant 0 : i32
      %dma_wait3A_933 = arith.constant 0 : i32
      %dma_wait3A_934 = arith.constant 0 : i32
      %dma_wait3A_935 = tpu.memref_slice %arg10[%dma_wait3A_926, %dma_wait3A_932, %dma_wait3A_933, %dma_wait3A_934] : memref<2x8x16x128xf32, #tpu.memory_space<vmem>> -> memref<1x8x16x128xf32, #tpu.memory_space<vmem>>
      %dma_wait3A_936 = tpu.memref_squeeze %dma_wait3A_935 : memref<1x8x16x128xf32, #tpu.memory_space<vmem>> -> memref<8x16x128xf32, #tpu.memory_space<vmem>>
      tpu.wait_dma2 semaphore(%arg13 : memref<!tpu.dma_semaphore, #tpu.memory_space<semaphore_mem>>) src(%arg6 : memref<8x16x128xf32, #tpu.memory_space<hbm>>) dst(%dma_wait3A_936 : memref<8x16x128xf32, #tpu.memory_space<vmem>>)
      %slice3A_937 = vector.extract_strided_slice %get3A_347 {offsets = [8], sizes = [1], strides = [1]} : vector<16xi32> to vector<1xi32>
      %squeeze3A_938 = vector.extract %slice3A_937[0] : i32 from vector<1xi32>
      %and3A_939 = arith.constant 127 : i32
      %and3A_940 = arith.andi %squeeze3A_938, %and3A_939 : i32
      %broadcast_in_dim3A_941 = vector.broadcast %and3A_940 : i32 to vector<16xi32>
      %slice3A_942 = vector.extract_strided_slice %get3A_349 {offsets = [8], sizes = [1], strides = [1]} : vector<16xi32> to vector<1xi32>
      %squeeze3A_943 = vector.extract %slice3A_942[0] : i32 from vector<1xi32>
      %and3A_944 = arith.constant 127 : i32
      %and3A_945 = arith.andi %squeeze3A_943, %and3A_944 : i32
      %broadcast_in_dim3A_946 = vector.broadcast %and3A_945 : i32 to vector<16xi32>
      %broadcast_in_dim3A_947 = arith.constant 0 : i32
      %broadcast_in_dim3A_948 = vector.broadcast %broadcast_in_dim3A_947 : i32 to vector<16xi32>
      %broadcast_in_dim3A_949 = arith.constant 1 : i32
      %broadcast_in_dim3A_950 = vector.broadcast %broadcast_in_dim3A_949 : i32 to vector<16xi32>
      %gather3A_951 = tpu.vector_load_idx %arg9[%broadcast_in_dim3A_950, %broadcast_in_dim3A_948, %iota3A, %broadcast_in_dim3A_941] : memref<2x8x16x128xf32, #tpu.memory_space<vmem>>[vector<16xi32>, vector<16xi32>, vector<16xi32>, vector<16xi32>], vector<16xf32>,
      %gather3A_952 = tpu.vector_load_idx %arg10[%broadcast_in_dim3A_950, %broadcast_in_dim3A_948, %iota3A, %broadcast_in_dim3A_946] : memref<2x8x16x128xf32, #tpu.memory_space<vmem>>[vector<16xi32>, vector<16xi32>, vector<16xi32>, vector<16xi32>], vector<16xf32>,
      %eq3A_953 = arith.constant 8 : i32
      %eq3A_954 = vector.broadcast %eq3A_953 : i32 to vector<16xi32>
      %eq3A_955 = arith.cmpi eq, %iota3A, %eq3A_954 : vector<16xi32>
      %mul3A_956 = arith.mulf %gather3A_951, %gather3A_952 : vector<16xf32>
      %reduce_sum3A_957 = arith.constant true
      %reduce_sum3A_958 = vector.broadcast %reduce_sum3A_957 : i1 to vector<16xi1>
      %reduce_sum3A_959 = tpu.scan <sum>, %mul3A_956 masked %reduce_sum3A_958 : vector<16xf32>, vector<16xi1> -> vector<16xf32>
      %reduce_sum3A_960 = vector.extract %reduce_sum3A_959[15] : f32 from vector<16xf32>
      %broadcast_in_dim3A_961 = vector.broadcast %reduce_sum3A_960 : f32 to vector<16xf32>
      %select_n3A_962 = arith.select %eq3A_955, %broadcast_in_dim3A_961, %select_n3A_910 : vector<16xi1>, vector<16xf32>
      %slice3A_963 = vector.extract_strided_slice %get3A_347 {offsets = [9], sizes = [1], strides = [1]} : vector<16xi32> to vector<1xi32>
      %squeeze3A_964 = vector.extract %slice3A_963[0] : i32 from vector<1xi32>
      %and3A_965 = arith.constant 127 : i32
      %and3A_966 = arith.andi %squeeze3A_964, %and3A_965 : i32
      %broadcast_in_dim3A_967 = vector.broadcast %and3A_966 : i32 to vector<16xi32>
      %slice3A_968 = vector.extract_strided_slice %get3A_349 {offsets = [9], sizes = [1], strides = [1]} : vector<16xi32> to vector<1xi32>
      %squeeze3A_969 = vector.extract %slice3A_968[0] : i32 from vector<1xi32>
      %and3A_970 = arith.constant 127 : i32
      %and3A_971 = arith.andi %squeeze3A_969, %and3A_970 : i32
      %broadcast_in_dim3A_972 = vector.broadcast %and3A_971 : i32 to vector<16xi32>
      %broadcast_in_dim3A_973 = arith.constant 1 : i32
      %broadcast_in_dim3A_974 = vector.broadcast %broadcast_in_dim3A_973 : i32 to vector<16xi32>
      %broadcast_in_dim3A_975 = arith.constant 1 : i32
      %broadcast_in_dim3A_976 = vector.broadcast %broadcast_in_dim3A_975 : i32 to vector<16xi32>
      %gather3A_977 = tpu.vector_load_idx %arg9[%broadcast_in_dim3A_976, %broadcast_in_dim3A_974, %iota3A, %broadcast_in_dim3A_967] : memref<2x8x16x128xf32, #tpu.memory_space<vmem>>[vector<16xi32>, vector<16xi32>, vector<16xi32>, vector<16xi32>], vector<16xf32>,
      %gather3A_978 = tpu.vector_load_idx %arg10[%broadcast_in_dim3A_976, %broadcast_in_dim3A_974, %iota3A, %broadcast_in_dim3A_972] : memref<2x8x16x128xf32, #tpu.memory_space<vmem>>[vector<16xi32>, vector<16xi32>, vector<16xi32>, vector<16xi32>], vector<16xf32>,
      %eq3A_979 = arith.constant 9 : i32
      %eq3A_980 = vector.broadcast %eq3A_979 : i32 to vector<16xi32>
      %eq3A_981 = arith.cmpi eq, %iota3A, %eq3A_980 : vector<16xi32>
      %mul3A_982 = arith.mulf %gather3A_977, %gather3A_978 : vector<16xf32>
      %reduce_sum3A_983 = arith.constant true
      %reduce_sum3A_984 = vector.broadcast %reduce_sum3A_983 : i1 to vector<16xi1>
      %reduce_sum3A_985 = tpu.scan <sum>, %mul3A_982 masked %reduce_sum3A_984 : vector<16xf32>, vector<16xi1> -> vector<16xf32>
      %reduce_sum3A_986 = vector.extract %reduce_sum3A_985[15] : f32 from vector<16xf32>
      %broadcast_in_dim3A_987 = vector.broadcast %reduce_sum3A_986 : f32 to vector<16xf32>
      %select_n3A_988 = arith.select %eq3A_981, %broadcast_in_dim3A_987, %select_n3A_962 : vector<16xi1>, vector<16xf32>
      %slice3A_989 = vector.extract_strided_slice %get3A_347 {offsets = [10], sizes = [1], strides = [1]} : vector<16xi32> to vector<1xi32>
      %squeeze3A_990 = vector.extract %slice3A_989[0] : i32 from vector<1xi32>
      %and3A_991 = arith.constant 127 : i32
      %and3A_992 = arith.andi %squeeze3A_990, %and3A_991 : i32
      %broadcast_in_dim3A_993 = vector.broadcast %and3A_992 : i32 to vector<16xi32>
      %slice3A_994 = vector.extract_strided_slice %get3A_349 {offsets = [10], sizes = [1], strides = [1]} : vector<16xi32> to vector<1xi32>
      %squeeze3A_995 = vector.extract %slice3A_994[0] : i32 from vector<1xi32>
      %and3A_996 = arith.constant 127 : i32
      %and3A_997 = arith.andi %squeeze3A_995, %and3A_996 : i32
      %broadcast_in_dim3A_998 = vector.broadcast %and3A_997 : i32 to vector<16xi32>
      %broadcast_in_dim3A_999 = arith.constant 2 : i32
      %broadcast_in_dim3A_1000 = vector.broadcast %broadcast_in_dim3A_999 : i32 to vector<16xi32>
      %broadcast_in_dim3A_1001 = arith.constant 1 : i32
      %broadcast_in_dim3A_1002 = vector.broadcast %broadcast_in_dim3A_1001 : i32 to vector<16xi32>
      %gather3A_1003 = tpu.vector_load_idx %arg9[%broadcast_in_dim3A_1002, %broadcast_in_dim3A_1000, %iota3A, %broadcast_in_dim3A_993] : memref<2x8x16x128xf32, #tpu.memory_space<vmem>>[vector<16xi32>, vector<16xi32>, vector<16xi32>, vector<16xi32>], vector<16xf32>,
      %gather3A_1004 = tpu.vector_load_idx %arg10[%broadcast_in_dim3A_1002, %broadcast_in_dim3A_1000, %iota3A, %broadcast_in_dim3A_998] : memref<2x8x16x128xf32, #tpu.memory_space<vmem>>[vector<16xi32>, vector<16xi32>, vector<16xi32>, vector<16xi32>], vector<16xf32>,
      %eq3A_1005 = arith.constant 10 : i32
      %eq3A_1006 = vector.broadcast %eq3A_1005 : i32 to vector<16xi32>
      %eq3A_1007 = arith.cmpi eq, %iota3A, %eq3A_1006 : vector<16xi32>
      %mul3A_1008 = arith.mulf %gather3A_1003, %gather3A_1004 : vector<16xf32>
      %reduce_sum3A_1009 = arith.constant true
      %reduce_sum3A_1010 = vector.broadcast %reduce_sum3A_1009 : i1 to vector<16xi1>
      %reduce_sum3A_1011 = tpu.scan <sum>, %mul3A_1008 masked %reduce_sum3A_1010 : vector<16xf32>, vector<16xi1> -> vector<16xf32>
      %reduce_sum3A_1012 = vector.extract %reduce_sum3A_1011[15] : f32 from vector<16xf32>
      %broadcast_in_dim3A_1013 = vector.broadcast %reduce_sum3A_1012 : f32 to vector<16xf32>
      %select_n3A_1014 = arith.select %eq3A_1007, %broadcast_in_dim3A_1013, %select_n3A_988 : vector<16xi1>, vector<16xf32>
      %slice3A_1015 = vector.extract_strided_slice %get3A_347 {offsets = [11], sizes = [1], strides = [1]} : vector<16xi32> to vector<1xi32>
      %squeeze3A_1016 = vector.extract %slice3A_1015[0] : i32 from vector<1xi32>
      %and3A_1017 = arith.constant 127 : i32
      %and3A_1018 = arith.andi %squeeze3A_1016, %and3A_1017 : i32
      %broadcast_in_dim3A_1019 = vector.broadcast %and3A_1018 : i32 to vector<16xi32>
      %slice3A_1020 = vector.extract_strided_slice %get3A_349 {offsets = [11], sizes = [1], strides = [1]} : vector<16xi32> to vector<1xi32>
      %squeeze3A_1021 = vector.extract %slice3A_1020[0] : i32 from vector<1xi32>
      %and3A_1022 = arith.constant 127 : i32
      %and3A_1023 = arith.andi %squeeze3A_1021, %and3A_1022 : i32
      %broadcast_in_dim3A_1024 = vector.broadcast %and3A_1023 : i32 to vector<16xi32>
      %broadcast_in_dim3A_1025 = arith.constant 3 : i32
      %broadcast_in_dim3A_1026 = vector.broadcast %broadcast_in_dim3A_1025 : i32 to vector<16xi32>
      %broadcast_in_dim3A_1027 = arith.constant 1 : i32
      %broadcast_in_dim3A_1028 = vector.broadcast %broadcast_in_dim3A_1027 : i32 to vector<16xi32>
      %gather3A_1029 = tpu.vector_load_idx %arg9[%broadcast_in_dim3A_1028, %broadcast_in_dim3A_1026, %iota3A, %broadcast_in_dim3A_1019] : memref<2x8x16x128xf32, #tpu.memory_space<vmem>>[vector<16xi32>, vector<16xi32>, vector<16xi32>, vector<16xi32>], vector<16xf32>,
      %gather3A_1030 = tpu.vector_load_idx %arg10[%broadcast_in_dim3A_1028, %broadcast_in_dim3A_1026, %iota3A, %broadcast_in_dim3A_1024] : memref<2x8x16x128xf32, #tpu.memory_space<vmem>>[vector<16xi32>, vector<16xi32>, vector<16xi32>, vector<16xi32>], vector<16xf32>,
      %eq3A_1031 = arith.constant 11 : i32
      %eq3A_1032 = vector.broadcast %eq3A_1031 : i32 to vector<16xi32>
      %eq3A_1033 = arith.cmpi eq, %iota3A, %eq3A_1032 : vector<16xi32>
      %mul3A_1034 = arith.mulf %gather3A_1029, %gather3A_1030 : vector<16xf32>
      %reduce_sum3A_1035 = arith.constant true
      %reduce_sum3A_1036 = vector.broadcast %reduce_sum3A_1035 : i1 to vector<16xi1>
      %reduce_sum3A_1037 = tpu.scan <sum>, %mul3A_1034 masked %reduce_sum3A_1036 : vector<16xf32>, vector<16xi1> -> vector<16xf32>
      %reduce_sum3A_1038 = vector.extract %reduce_sum3A_1037[15] : f32 from vector<16xf32>
      %broadcast_in_dim3A_1039 = vector.broadcast %reduce_sum3A_1038 : f32 to vector<16xf32>
      %select_n3A_1040 = arith.select %eq3A_1033, %broadcast_in_dim3A_1039, %select_n3A_1014 : vector<16xi1>, vector<16xf32>
      %slice3A_1041 = vector.extract_strided_slice %get3A_347 {offsets = [12], sizes = [1], strides = [1]} : vector<16xi32> to vector<1xi32>
      %squeeze3A_1042 = vector.extract %slice3A_1041[0] : i32 from vector<1xi32>
      %and3A_1043 = arith.constant 127 : i32
      %and3A_1044 = arith.andi %squeeze3A_1042, %and3A_1043 : i32
      %broadcast_in_dim3A_1045 = vector.broadcast %and3A_1044 : i32 to vector<16xi32>
      %slice3A_1046 = vector.extract_strided_slice %get3A_349 {offsets = [12], sizes = [1], strides = [1]} : vector<16xi32> to vector<1xi32>
      %squeeze3A_1047 = vector.extract %slice3A_1046[0] : i32 from vector<1xi32>
      %and3A_1048 = arith.constant 127 : i32
      %and3A_1049 = arith.andi %squeeze3A_1047, %and3A_1048 : i32
      %broadcast_in_dim3A_1050 = vector.broadcast %and3A_1049 : i32 to vector<16xi32>
      %broadcast_in_dim3A_1051 = arith.constant 4 : i32
      %broadcast_in_dim3A_1052 = vector.broadcast %broadcast_in_dim3A_1051 : i32 to vector<16xi32>
      %broadcast_in_dim3A_1053 = arith.constant 1 : i32
      %broadcast_in_dim3A_1054 = vector.broadcast %broadcast_in_dim3A_1053 : i32 to vector<16xi32>
      %gather3A_1055 = tpu.vector_load_idx %arg9[%broadcast_in_dim3A_1054, %broadcast_in_dim3A_1052, %iota3A, %broadcast_in_dim3A_1045] : memref<2x8x16x128xf32, #tpu.memory_space<vmem>>[vector<16xi32>, vector<16xi32>, vector<16xi32>, vector<16xi32>], vector<16xf32>,
      %gather3A_1056 = tpu.vector_load_idx %arg10[%broadcast_in_dim3A_1054, %broadcast_in_dim3A_1052, %iota3A, %broadcast_in_dim3A_1050] : memref<2x8x16x128xf32, #tpu.memory_space<vmem>>[vector<16xi32>, vector<16xi32>, vector<16xi32>, vector<16xi32>], vector<16xf32>,
      %eq3A_1057 = arith.constant 12 : i32
      %eq3A_1058 = vector.broadcast %eq3A_1057 : i32 to vector<16xi32>
      %eq3A_1059 = arith.cmpi eq, %iota3A, %eq3A_1058 : vector<16xi32>
      %mul3A_1060 = arith.mulf %gather3A_1055, %gather3A_1056 : vector<16xf32>
      %reduce_sum3A_1061 = arith.constant true
      %reduce_sum3A_1062 = vector.broadcast %reduce_sum3A_1061 : i1 to vector<16xi1>
      %reduce_sum3A_1063 = tpu.scan <sum>, %mul3A_1060 masked %reduce_sum3A_1062 : vector<16xf32>, vector<16xi1> -> vector<16xf32>
      %reduce_sum3A_1064 = vector.extract %reduce_sum3A_1063[15] : f32 from vector<16xf32>
      %broadcast_in_dim3A_1065 = vector.broadcast %reduce_sum3A_1064 : f32 to vector<16xf32>
      %select_n3A_1066 = arith.select %eq3A_1059, %broadcast_in_dim3A_1065, %select_n3A_1040 : vector<16xi1>, vector<16xf32>
      %slice3A_1067 = vector.extract_strided_slice %get3A_347 {offsets = [13], sizes = [1], strides = [1]} : vector<16xi32> to vector<1xi32>
      %squeeze3A_1068 = vector.extract %slice3A_1067[0] : i32 from vector<1xi32>
      %and3A_1069 = arith.constant 127 : i32
      %and3A_1070 = arith.andi %squeeze3A_1068, %and3A_1069 : i32
      %broadcast_in_dim3A_1071 = vector.broadcast %and3A_1070 : i32 to vector<16xi32>
      %slice3A_1072 = vector.extract_strided_slice %get3A_349 {offsets = [13], sizes = [1], strides = [1]} : vector<16xi32> to vector<1xi32>
      %squeeze3A_1073 = vector.extract %slice3A_1072[0] : i32 from vector<1xi32>
      %and3A_1074 = arith.constant 127 : i32
      %and3A_1075 = arith.andi %squeeze3A_1073, %and3A_1074 : i32
      %broadcast_in_dim3A_1076 = vector.broadcast %and3A_1075 : i32 to vector<16xi32>
      %broadcast_in_dim3A_1077 = arith.constant 5 : i32
      %broadcast_in_dim3A_1078 = vector.broadcast %broadcast_in_dim3A_1077 : i32 to vector<16xi32>
      %broadcast_in_dim3A_1079 = arith.constant 1 : i32
      %broadcast_in_dim3A_1080 = vector.broadcast %broadcast_in_dim3A_1079 : i32 to vector<16xi32>
      %gather3A_1081 = tpu.vector_load_idx %arg9[%broadcast_in_dim3A_1080, %broadcast_in_dim3A_1078, %iota3A, %broadcast_in_dim3A_1071] : memref<2x8x16x128xf32, #tpu.memory_space<vmem>>[vector<16xi32>, vector<16xi32>, vector<16xi32>, vector<16xi32>], vector<16xf32>,
      %gather3A_1082 = tpu.vector_load_idx %arg10[%broadcast_in_dim3A_1080, %broadcast_in_dim3A_1078, %iota3A, %broadcast_in_dim3A_1076] : memref<2x8x16x128xf32, #tpu.memory_space<vmem>>[vector<16xi32>, vector<16xi32>, vector<16xi32>, vector<16xi32>], vector<16xf32>,
      %eq3A_1083 = arith.constant 13 : i32
      %eq3A_1084 = vector.broadcast %eq3A_1083 : i32 to vector<16xi32>
      %eq3A_1085 = arith.cmpi eq, %iota3A, %eq3A_1084 : vector<16xi32>
      %mul3A_1086 = arith.mulf %gather3A_1081, %gather3A_1082 : vector<16xf32>
      %reduce_sum3A_1087 = arith.constant true
      %reduce_sum3A_1088 = vector.broadcast %reduce_sum3A_1087 : i1 to vector<16xi1>
      %reduce_sum3A_1089 = tpu.scan <sum>, %mul3A_1086 masked %reduce_sum3A_1088 : vector<16xf32>, vector<16xi1> -> vector<16xf32>
      %reduce_sum3A_1090 = vector.extract %reduce_sum3A_1089[15] : f32 from vector<16xf32>
      %broadcast_in_dim3A_1091 = vector.broadcast %reduce_sum3A_1090 : f32 to vector<16xf32>
      %select_n3A_1092 = arith.select %eq3A_1085, %broadcast_in_dim3A_1091, %select_n3A_1066 : vector<16xi1>, vector<16xf32>
      %slice3A_1093 = vector.extract_strided_slice %get3A_347 {offsets = [14], sizes = [1], strides = [1]} : vector<16xi32> to vector<1xi32>
      %squeeze3A_1094 = vector.extract %slice3A_1093[0] : i32 from vector<1xi32>
      %and3A_1095 = arith.constant 127 : i32
      %and3A_1096 = arith.andi %squeeze3A_1094, %and3A_1095 : i32
      %broadcast_in_dim3A_1097 = vector.broadcast %and3A_1096 : i32 to vector<16xi32>
      %slice3A_1098 = vector.extract_strided_slice %get3A_349 {offsets = [14], sizes = [1], strides = [1]} : vector<16xi32> to vector<1xi32>
      %squeeze3A_1099 = vector.extract %slice3A_1098[0] : i32 from vector<1xi32>
      %and3A_1100 = arith.constant 127 : i32
      %and3A_1101 = arith.andi %squeeze3A_1099, %and3A_1100 : i32
      %broadcast_in_dim3A_1102 = vector.broadcast %and3A_1101 : i32 to vector<16xi32>
      %broadcast_in_dim3A_1103 = arith.constant 6 : i32
      %broadcast_in_dim3A_1104 = vector.broadcast %broadcast_in_dim3A_1103 : i32 to vector<16xi32>
      %broadcast_in_dim3A_1105 = arith.constant 1 : i32
      %broadcast_in_dim3A_1106 = vector.broadcast %broadcast_in_dim3A_1105 : i32 to vector<16xi32>
      %gather3A_1107 = tpu.vector_load_idx %arg9[%broadcast_in_dim3A_1106, %broadcast_in_dim3A_1104, %iota3A, %broadcast_in_dim3A_1097] : memref<2x8x16x128xf32, #tpu.memory_space<vmem>>[vector<16xi32>, vector<16xi32>, vector<16xi32>, vector<16xi32>], vector<16xf32>,
      %gather3A_1108 = tpu.vector_load_idx %arg10[%broadcast_in_dim3A_1106, %broadcast_in_dim3A_1104, %iota3A, %broadcast_in_dim3A_1102] : memref<2x8x16x128xf32, #tpu.memory_space<vmem>>[vector<16xi32>, vector<16xi32>, vector<16xi32>, vector<16xi32>], vector<16xf32>,
      %eq3A_1109 = arith.constant 14 : i32
      %eq3A_1110 = vector.broadcast %eq3A_1109 : i32 to vector<16xi32>
      %eq3A_1111 = arith.cmpi eq, %iota3A, %eq3A_1110 : vector<16xi32>
      %mul3A_1112 = arith.mulf %gather3A_1107, %gather3A_1108 : vector<16xf32>
      %reduce_sum3A_1113 = arith.constant true
      %reduce_sum3A_1114 = vector.broadcast %reduce_sum3A_1113 : i1 to vector<16xi1>
      %reduce_sum3A_1115 = tpu.scan <sum>, %mul3A_1112 masked %reduce_sum3A_1114 : vector<16xf32>, vector<16xi1> -> vector<16xf32>
      %reduce_sum3A_1116 = vector.extract %reduce_sum3A_1115[15] : f32 from vector<16xf32>
      %broadcast_in_dim3A_1117 = vector.broadcast %reduce_sum3A_1116 : f32 to vector<16xf32>
      %select_n3A_1118 = arith.select %eq3A_1111, %broadcast_in_dim3A_1117, %select_n3A_1092 : vector<16xi1>, vector<16xf32>
      %slice3A_1119 = vector.extract_strided_slice %get3A_347 {offsets = [15], sizes = [1], strides = [1]} : vector<16xi32> to vector<1xi32>
      %squeeze3A_1120 = vector.extract %slice3A_1119[0] : i32 from vector<1xi32>
      %and3A_1121 = arith.constant 127 : i32
      %and3A_1122 = arith.andi %squeeze3A_1120, %and3A_1121 : i32
      %broadcast_in_dim3A_1123 = vector.broadcast %and3A_1122 : i32 to vector<16xi32>
      %slice3A_1124 = vector.extract_strided_slice %get3A_349 {offsets = [15], sizes = [1], strides = [1]} : vector<16xi32> to vector<1xi32>
      %squeeze3A_1125 = vector.extract %slice3A_1124[0] : i32 from vector<1xi32>
      %and3A_1126 = arith.constant 127 : i32
      %and3A_1127 = arith.andi %squeeze3A_1125, %and3A_1126 : i32
      %broadcast_in_dim3A_1128 = vector.broadcast %and3A_1127 : i32 to vector<16xi32>
      %broadcast_in_dim3A_1129 = arith.constant 7 : i32
      %broadcast_in_dim3A_1130 = vector.broadcast %broadcast_in_dim3A_1129 : i32 to vector<16xi32>
      %broadcast_in_dim3A_1131 = arith.constant 1 : i32
      %broadcast_in_dim3A_1132 = vector.broadcast %broadcast_in_dim3A_1131 : i32 to vector<16xi32>
      %gather3A_1133 = tpu.vector_load_idx %arg9[%broadcast_in_dim3A_1132, %broadcast_in_dim3A_1130, %iota3A, %broadcast_in_dim3A_1123] : memref<2x8x16x128xf32, #tpu.memory_space<vmem>>[vector<16xi32>, vector<16xi32>, vector<16xi32>, vector<16xi32>], vector<16xf32>,
      %gather3A_1134 = tpu.vector_load_idx %arg10[%broadcast_in_dim3A_1132, %broadcast_in_dim3A_1130, %iota3A, %broadcast_in_dim3A_1128] : memref<2x8x16x128xf32, #tpu.memory_space<vmem>>[vector<16xi32>, vector<16xi32>, vector<16xi32>, vector<16xi32>], vector<16xf32>,
      %eq3A_1135 = arith.constant 15 : i32
      %eq3A_1136 = vector.broadcast %eq3A_1135 : i32 to vector<16xi32>
      %eq3A_1137 = arith.cmpi eq, %iota3A, %eq3A_1136 : vector<16xi32>
      %mul3A_1138 = arith.mulf %gather3A_1133, %gather3A_1134 : vector<16xf32>
      %reduce_sum3A_1139 = arith.constant true
      %reduce_sum3A_1140 = vector.broadcast %reduce_sum3A_1139 : i1 to vector<16xi1>
      %reduce_sum3A_1141 = tpu.scan <sum>, %mul3A_1138 masked %reduce_sum3A_1140 : vector<16xf32>, vector<16xi1> -> vector<16xf32>
      %reduce_sum3A_1142 = vector.extract %reduce_sum3A_1141[15] : f32 from vector<16xf32>
      %broadcast_in_dim3A_1143 = vector.broadcast %reduce_sum3A_1142 : f32 to vector<16xf32>
      %select_n3A_1144 = arith.select %eq3A_1137, %broadcast_in_dim3A_1143, %select_n3A_1118 : vector<16xi1>, vector<16xf32>
      %swap3A = arith.index_cast %mul3A_345 : i32 to index
      %swap3A_1145 = tpu.vector_load %arg11[%swap3A] {strides = array<i32>} : memref<512xf32, #tpu.memory_space<vmem>>, vector<16xf32>,
      tpu.vector_store %arg11[%swap3A], %select_n3A_1144 {strides = array<i32>} : memref<512xf32, #tpu.memory_space<vmem>>, vector<16xf32>,
    }
    %scan3A_342 = arith.constant 32 : i32
    "tpu.region"() ({
      %run_scoped3A_343 = tpu.sem_alloc : memref<!tpu.dma_semaphore, #tpu.memory_space<semaphore_mem>>
      %dma_start3A_344 = tpu.memref_slice %arg5[%mul3A_2] : memref<16384xf32, #tpu.memory_space<hbm>> -> memref<512xf32, #tpu.memory_space<hbm>>
      %dma_start3A_345 = tpu.memref_slice %arg5[%mul3A_2] : memref<16384xf32, #tpu.memory_space<hbm>> -> memref<512xf32, #tpu.memory_space<hbm>>
      tpu.enqueue_dma source(%arg11 : memref<512xf32, #tpu.memory_space<vmem>>) target(%dma_start3A_345 : memref<512xf32, #tpu.memory_space<hbm>>) target_semaphore(%run_scoped3A_343 : memref<!tpu.dma_semaphore, #tpu.memory_space<semaphore_mem>>)
      %dma_wait3A = tpu.memref_slice %arg5[%mul3A_2] : memref<16384xf32, #tpu.memory_space<hbm>> -> memref<512xf32, #tpu.memory_space<hbm>>
      %dma_wait3A_346 = tpu.memref_slice %arg5[%mul3A_2] : memref<16384xf32, #tpu.memory_space<hbm>> -> memref<512xf32, #tpu.memory_space<hbm>>
      tpu.wait_dma2 semaphore(%run_scoped3A_343 : memref<!tpu.dma_semaphore, #tpu.memory_space<semaphore_mem>>) src(%arg11 : memref<512xf32, #tpu.memory_space<vmem>>) dst(%dma_wait3A_346 : memref<512xf32, #tpu.memory_space<hbm>>)
      tpu.yield
    }) : () -> ()
    return
  }
}

</mosaic_0001>

<sc_bundles>
// kernel: kernel.3.cloned.1.call-start
scs
__scs_entry_jumppad:
0x0: {  	(pc) =	sbr.rel $0x88, $3  }
0x1: {  	(tag) =	ssettag $0x0;
	lr =	simm.s32 $0x1  }
0x2: {  	[smem:$0x3F9E] =	sst lr;
	_ =	strace $0xD0000000  }
0x3: {  	_ = 	snop  }
0x4: {  	_ = 	snop  }
0x5: {  	_ = 	snop  }
0x6: {  	_ = 	snop  }
0x7: {  	_ = 	snop  }
__scs_overlays_trampoline_lowered:
0x8: {  	[smem:$0x3FAD] =	sst s0  }
0x9: {  	[smem:$0x3FAE] =	sst s1  }
0xa: {  	[smem:$0x3FAF] =	sst s2  }
0xb: {  	[smem:$0x3FB0] =	sst s3  }
0xc: {  	[smem:$0x3FB1] =	sst s4  }
0xd: {  	[smem:$0x3FB2] =	sst s5  }
0xe: {  	[smem:$0x3FB3] =	sst s6  }
0xf: {  	[smem:$0x3FB4] =	sst s7  }
0x10: {  	[smem:$0x3FB5] =	sst s8  }
0x11: {  	[smem:$0x3FB6] =	sst s9;
	s0 =	simm.s32 @!p0 $0x0  }
0x12: {  	s1 =	sld [smem:$0x3F9C];
	s0 =	simm.s32 @p0 $0x1  }
0x13: {  	[smem:$0x3FB7] =	sst s0;
	s0 =	simm.s32 @!p1 $0x0  }
0x14: {  	s2 =	sld [smem:$0x3F9B];
	s0 =	simm.s32 @p1 $0x1  }
0x15: {  	[smem:$0x3FB8] =	sst s0;
	s0 =	simm.s32 @!p2 $0x0  }
0x16: {  	s3 =	sld [smem:$0x3FDB];
	s0 =	simm.s32 @p2 $0x1  }
0x17: {  	s4 =	simm.s32 $0x1BF5;
	[smem:$0x3FBA] =	sst s0  }
0x18: {  	s0 =	sld [smem:$0x3F9D];
	_ =	swait.ge [sflag:s4], $0x0  }
0x19: {  	s7 =	sld [smem:$0x3F9E]  }
0x1a: {  	s8 =	sadd.s32 $0xFFFFE003, lr  }
0x1b: {  	s9 =	sadd.s32 $0xFFFFFEF7, lr;
	s5 =	simm.s32 $0xFFFFFFFF;
	p2 =	slt.u32 s8, $0xFFFFF086  }
0x1c: {  	p1 =	slt.u32 s9, $0xF7A;
	s5 =	simm.s32 @!p2 $0x0  }
0x1d: {  	s5 =	simm.s32 @p1 $0x1;
	p0 =	seq.s32 s7, s2  }
0x1e: {  	s7 =	smul.u32 @!p0 $0xF7A, s2;
	p2 =	seq.s32 @!p0 s5, $0x0  }
0x1f: {  	s9 =	smul.u32 $0xF7A, s1;
	s8 =	simm.s32 @!p0 $0x1BF5;
	p2 =	por !p2, p0  }
0x20: {  	[sflag:s8] =	ssyncset.s32 @!p0 $0xFFFFF086;
	s6 =	sadd.s32 @!p0 s3, s7;
	s7 =	simm.s32 @!p0 $0x108  }
0x21: {  	s3 =	sadd.s32 s3, s9;
	s6 =	sadd.s32 @!p0 $0x88, s6;
	s7 =	simm.s32 @p2 $0x1082  }
0x22: {  	[simem:s7], [sflag:s8] =	dma.local @!p0 [hbm:s6], $0xF7A  }
0x23: {  	s9 =	sor.u32 $0xD0000000, s2;
	s6 =	simm.s32 $0x108;
	_ =	swait.ge @!p0 [sflag:s8], $0x0  }
0x24: {  	s3 =	sadd.s32 $0x88, s3;
	s6 =	simm.s32 @!p1 $0x1082;
	[sflag:s4] =	ssyncset.s32 $0xFFFFF086  }
0x25: {  	[simem:s6], [sflag:s4] =	dma.local [hbm:s3], $0xF7A  }
0x26: {  	[smem:$0x3F9E] =	sst s1;
	(tag) =	ssettag s2;
	_ =	strace s9  }
0x27: {  	s1 =	sld [smem:$0x3FAE]  }
0x28: {  	s2 =	sld [smem:$0x3FAF]  }
0x29: {  	s4 =	sld [smem:$0x3FB1]  }
0x2a: {  	p0 =	seq.s32 s5, $0x0;
	s5 =	sld [smem:$0x3FB2]  }
0x2b: {  	s6 =	sld [smem:$0x3FB3]  }
0x2c: {  	s7 =	sld [smem:$0x3FB4]  }
0x2d: {  	s3 =	simm.s32 $0x108;
	s8 =	sld [smem:$0x3FB5]  }
0x2e: {  	s3 =	simm.s32 @!p0 $0x1082;
	s9 =	sld [smem:$0x3FB6]  }
0x2f: {  	lr =	sadd.s32 s0, s3;
	s0 =	sld [smem:$0x3FAD]  }
0x30: {  	s3 =	sld [smem:$0x3FB0]  }
0x31: {  	[smem:$0x3FB9] =	sst s10  }
0x32: {  	s10 =	sld [smem:$0x3FB7];
	_ =	sdelay $0x3  }
0x33: {  	p0 =	seq.s32 s10, $0x1;
	s10 =	sld [smem:$0x3FB9];
	_ =	sdelay $0x3  }
0x34: {  	[smem:$0x3FB9] =	sst s10  }
0x35: {  	s10 =	sld [smem:$0x3FB8];
	_ =	sdelay $0x3  }
0x36: {  	p1 =	seq.s32 s10, $0x1;
	s10 =	sld [smem:$0x3FB9];
	_ =	sdelay $0x3  }
0x37: {  	[smem:$0x3FB9] =	sst s10  }
0x38: {  	s10 =	sld [smem:$0x3FBA]  }
0x39: {  	_ = 	snop;
	(pc) =	sbr.ind lr, $3  }
0x3a: {  	_ = 	snop  }
0x3b: {  	_ = 	snop  }
0x3c: {  	p2 =	seq.s32 s10, $0x1;
	s10 =	sld [smem:$0x3FB9]  }
0x3d: {  	_ =	shalt  }
0x3e: {  	_ =	shalt  }
0x3f: {  	_ =	shalt  }
0x40: {  	_ =	shalt  }
0x41: {  	_ =	shalt  }
0x42: {  	_ =	shalt  }
0x43: {  	_ =	shalt  }
0x44: {  	_ =	shalt  }
0x45: {  	_ =	shalt  }
0x46: {  	_ =	shalt  }
0x47: {  	_ =	shalt  }
0x48: {  	_ =	shalt  }
0x49: {  	_ =	shalt  }
0x4a: {  	_ =	shalt  }
0x4b: {  	_ =	shalt  }
0x4c: {  	_ =	shalt  }
0x4d: {  	_ =	shalt  }
0x4e: {  	_ =	shalt  }
0x4f: {  	_ =	shalt  }
0x50: {  	_ =	shalt  }
0x51: {  	_ =	shalt  }
0x52: {  	_ =	shalt  }
0x53: {  	_ =	shalt  }
0x54: {  	_ =	shalt  }
0x55: {  	_ =	shalt  }
0x56: {  	_ =	shalt  }
0x57: {  	_ =	shalt  }
0x58: {  	_ =	shalt  }
0x59: {  	_ =	shalt  }
0x5a: {  	_ =	shalt  }
0x5b: {  	_ =	shalt  }
0x5c: {  	_ =	shalt  }
0x5d: {  	_ =	shalt  }
0x5e: {  	_ =	shalt  }
0x5f: {  	_ =	shalt  }
0x60: {  	_ =	shalt  }
0x61: {  	_ =	shalt  }
0x62: {  	_ =	shalt  }
0x63: {  	_ =	shalt  }
0x64: {  	_ =	shalt  }
0x65: {  	_ =	shalt  }
0x66: {  	_ =	shalt  }
0x67: {  	_ =	shalt  }
0x68: {  	_ =	shalt  }
0x69: {  	_ =	shalt  }
0x6a: {  	_ =	shalt  }
0x6b: {  	_ =	shalt  }
0x6c: {  	_ =	shalt  }
0x6d: {  	_ =	shalt  }
0x6e: {  	_ =	shalt  }
0x6f: {  	_ =	shalt  }
0x70: {  	_ =	shalt  }
0x71: {  	_ =	shalt  }
0x72: {  	_ =	shalt  }
0x73: {  	_ =	shalt  }
0x74: {  	_ =	shalt  }
0x75: {  	_ =	shalt  }
0x76: {  	_ =	shalt  }
0x77: {  	_ =	shalt  }
0x78: {  	_ =	shalt  }
0x79: {  	_ =	shalt  }
0x7a: {  	_ =	shalt  }
0x7b: {  	_ =	shalt  }
0x7c: {  	_ =	shalt  }
0x7d: {  	_ =	shalt  }
0x7e: {  	_ =	shalt  }
0x7f: {  	_ =	shalt  }
0x80: {  	_ =	shalt  }
0x81: {  	_ =	shalt  }
0x82: {  	_ =	shalt  }
0x83: {  	_ =	shalt  }
0x84: {  	_ =	shalt  }
0x85: {  	_ =	shalt  }
0x86: {  	_ =	shalt  }
0x87: {  	_ =	shalt  }
.Lfunc_end0:
.L_simem_size_0:
called_computation_lowered:
.L_overlay_start_0:
0x88: {  	s2 =	sld [smem:$0x3FD9]  }
0x89: {  	s3 =	sld [smem:$0x3FFE];
	_ =	sdelay $0x1  }
0x8a: {  	s1 =	srdreg.scid  }
0x8b: {  	s0 =	sand.u32 $0x1, s1  }
0x8c: {  	s18 =	sshll.u32 s0, $0xA;
	s2 =	sadd.s32 s3, s2  }
0x8d: {  	s2 =	sadd.s32 s2, s18  }
0x8e: {  	[smem:$0x3FC5] =	sst s2  }
0x8f: {  	_ = 	snop  }
0x90: {  	s2 =	sld [smem:$0x3FC9]  }
0x91: {  	s19 =	sld [smem:$0x3FC8]  }
0x92: {  	s4 =	sld [smem:$0x3FC7]  }
0x93: {  	s5 =	sld [smem:$0x3FD0];
	(tm) =	ssettm $0x1  }
0x94: {  	s6 =	sld [smem:$0x3FFB];
	_ =	sdelay $0x3  }
0x95: {  	_ =	strace s6  }
0x96: {  	s6 =	sld [smem:$0x3FFC];
	_ =	sdelay $0x3  }
0x97: {  	_ =	strace s6  }
0x98: {  	s6 =	sld [smem:$0x3FFD];
	_ =	sdelay $0x3  }
0x99: {  	_ =	strace s6  }
0x9a: {  	_ =	strace $0x8FFFFFFF  }
0x9b: {  	s20 =	sld [smem:$0x3FDB];
	_ =	sdelay $0x1  }
0x9c: {  	s7 =	simm.s32 $_scs_section_size  }
0x9d: {  	s8 =	simm.s32 $_size__tile_overlayer_lowered;
	s9 =	simm.s32 $_tile_overlayer_lowered  }
0x9e: {  	s23 =	simm.s32 $0x1BFF;
	s22 =	sshll.u32 s9, $0x1;
	s6 =	sadd.s32 s7, s20  }
0x9f: {  	s10 =	simm.s32 $0x0;
	s21 =	sshll.u32 s8, $0x1;
	s8 =	sadd.s32 s22, s6  }
0xa0: {  	[timem:s10], [sflag:s23] =	dma.local [hbm:s8], s21  }
0xa1: {  	_ =	swait.ge [sflag:s23], s21  }
0xa2: {  	s7 =	ssub.s32 $0x0, s21;
	[sflag:s23] =	ssyncset.done $0x0  }
0xa3: {  	[sflag:s23] =	ssyncadd.s32 s7;
	_ =	sdelay $0x1  }
0xa4: {  	s24 =	simm.s32 $0x1B8B  }
0xa5: {  	_ =	swait.ge [sflag:s24], $0x1  }
0xa6: {  	[sflag:s24] =	ssyncset.done $0x0  }
0xa7: {  	s25 =	simm.s32 $0x1B8E;
	[sflag:s24] =	ssyncadd.s32 $0xFFFFFFFF  }
0xa8: {  	s26 =	simm.s32 $execute0_lowered;
	[smem:$0x3FD2] =	sst s25  }
0xa9: {  	s7 =	sshll.u32 s26, $0x1;
	_ =	strace $0x80000046;
	[dreg:$0x1] =	wrdreg $0xFFFFFFFF  }
0xaa: {  	s28 =	simm.s32 $_size_execute0_lowered;
	s6 =	sadd.s32 s6, s7;
	[dreg:$0x0] =	wrdreg $0x0  }
0xab: {  	s7 =	sshll.u32 s28, $0x1;
	[dreg:$0x2] =	wrdreg s6  }
0xac: {  	[dreg:$0x3] =	wrdreg s7  }
0xad: {  	[dreg:$0x4] =	wrdreg $0xC0  }
0xae: {  	_ =	task [dreg:s10], $0x5FFFF  }
0xaf: {  	[dreg:$0x1] =	wrdreg $0xFFFFFFFF  }
0xb0: {  	[dreg:$0x0] =	wrdreg $0x60  }
0xb1: {  	[dreg:$0x2] =	wrdreg s2  }
0xb2: {  	[dreg:$0x3] =	wrdreg s19  }
0xb3: {  	[dreg:$0x4] =	wrdreg s4  }
0xb4: {  	[dreg:$0x5] =	wrdreg s5  }
0xb5: {  	[dreg:$0x6] =	wrdreg $0x9  }
0xb6: {  	_ =	task.clear_ibuf [dreg:s10], $0x7FFFF;
	_ =	strace $0x90000046  }
0xb7: {  	s29 =	simm.s32 $0x9;
	_ =	strace $0x80000048  }
0xb8: {  	_ =	swait.ge [sflag:s29], $0x1  }
0xb9: {  	[sflag:s29] =	ssyncadd.s32 $0xFFFFFFFF  }
0xba: {  	_ =	strace $0x90000048  }
0xbb: {  	_ =	sfence  }
0xbc: {  	s30 =	sld [smem:$0x0];
	_ =	sdelay $0x2  }
0xbd: {  	s31 =	sshll.u32 s1, $0xD;
	s1 =	sshrl.u32 s1, $0x2  }
0xbe: {  	s3 =	sand.u32 $0x4000, s31;
	s1 =	sadd.s32 s1, s30  }
0xbf: {  	s0 =	sor.u32 s3, s0;
	s1 =	sshll.u32 s1, $0x11  }
0xc0: {  	s0 =	sor.u32 s1, s0  }
0xc1: {  	s0 =	sadd.s32 $0x8F2B, s0  }
0xc2: {  	[sflag:s0] =	ssyncadd.remote.s32 $0x1  }
0xc3: {  	_ =	sfence.sel $0xFFFF  }
0xc4: {  	[dreg:$0x0] =	wrdreg $0xFFFFFFFF;
	(pc) =	sbr.abs _section_cstart, $3  }
0xc5: {  	[dreg:$0x1] =	wrdreg $0xFFFFFFFF  }
0xc6: {  	_ =	task.clear_ibuf [dreg:s10], $0x2FFFF;
	_ =	strace $0x9FFFFFFF  }
0xc7: {  	(tm) =	ssettm $0x7FFFFFFF  }
tec
execute0_lowered:
.L_overlay_start_1:
0x0: {  	(tag) =	ssettag $0x1  }
0x1: {  	s0 =	rddreg [dreg:$0x0]  }
0x2: {  	s1 =	rddreg [dreg:$0x1]  }
0x3: {  	s3 =	rddreg [dreg:$0x2]  }
0x4: {  	s2 =	rddreg [dreg:$0x3];
	s4 =	srdreg.scid  }
0x5: {  	s5 =	stileid.u32;
	s8 =	simm.s32 $0x0;
	s13 =	simm.s32 $0x7A1400;
	v0 =	vlaneseq.u32;
	vm0 =	vmmov $0x1  }
0x6: {  	s14 =	simm.s32 $0x400;
	s15 =	simm.s32 $0x8400;
	vm1 =	vmmov $0x3;
	vm2 =	vmmov $0x7;
	vm3 =	vmmov $0xf;
	s16 =	simm.s32 $0x7400  }
0x7: {  	vm4 =	vmmov $0x1f;
	vm5 =	vmmov $0x3f;
	vm6 =	vmmov $0x7f;
	s17 =	simm.s32 $0xF400;
	s18 =	simm.s32 $0x7C00;
	s4 =	sand.u32 $0x1, s4  }
0x8: {  	vm7 =	vcmask $0x2320;
	vm8 =	vmmov $0x1ff;
	vm9 =	vmmov $0x3ff;
	s19 =	simm.s32 $0xFC00;
	s5 =	sshll.u32 s5, $0xA;
	s6 =	sshll.u32 s4, $0x9  }
0x9: {  	vm10 =	vmmov $0x7ff;
	vm11 =	vmmov $0xfff;
	[smem:$0x7FF] =	sst s8;
	v0 =	vmul.u32 $0x80, v0;
	s4 =	ssub.s32 $0x2, s4;
	s5 =	sor.u32 s6, s5  }
0xa: {  	vm12 =	vmmov $0x1fff;
	vm13 =	vmmov $0x3fff;
	vm14 =	vmmov $0x7fff;
	_ =	strace $0x80000047;
	s7 =	sshrl.u32 s4, $0x1;
	s6 =	sshrl.u32 s5, $0x2  }
.Ltmp0:
0xb: {  	v1 =	vor.u32 $0x800, v0;
	v2 =	vor.u32 $0x1000, v0;
	v3 =	vor.u32 $0x1800, v0;
	s29 =	sshrl.u32 s5, $0x3;
	s6 =	sadd.s32 s0, s6;
	(pc) =	sbr.rel .LBB2_1-.Ltmp0, $4  }
0xc: {  	v4 =	vor.u32 $0x2000, v0;
	v5 =	vor.u32 $0x2800, v0;
	v6 =	vor.u32 $0x3000, v0;
	s4 =	ssub.s32 s4, s7;
	s0 =	sadd.s32 s2, s29;
	[dreg:$0x5] =	wrdreg s6  }
0xd: {  	s20 =	simm.s32 $0x1;
	v7 =	vor.u32 $0x3800, v0;
	v8 =	vor.u32 $0x4000, v0;
	v9 =	vor.u32 $0x4800, v0;
	s31 =	smax.u32 s4, $0x1;
	[dreg:$0x7] =	wrdreg s0  }
0xe: {  	s21 =	simm.s32 $0x2;
	v10 =	vor.u32 $0x5000, v0;
	v11 =	vor.u32 $0x5800, v0;
	v12 =	vor.u32 $0x6000, v0;
	s30 =	sadd.s32 $0x10, s6;
	[dreg:$0x8] =	wrdreg s31  }
0xf: {  	v13 =	vor.u32 $0x6800, v0;
	v14 =	vor.u32 $0x7000, v0;
	v15 =	vor.u32 $0x7800, v0;
	s5 =	simm.s32 $0x3;
	s2 =	simm.s32 $0x0;
	[dreg:$0x6] =	wrdreg s30  }
.LBB2_5:
0x10: {  	s8 =	simm.s32 $0x0  }
0x11: {  	s0 =	rddreg [dreg:$0x7];
	s2 =	simm.s32 $0x10400;
	s5 =	simm.s32 $0x3  }
0x12: {  	[hbm4b:s0+s8] =	stream.linear.scatter [tilespmem:s2], [sflag:$0x3], $0x200, $0x38;
	[tilespmem:$0x10600] =	vst v63  }
0x13: {  	_ =	swait.ge [sflag:s5], $0x200  }
0x14: {  	s30 =	rddreg [dreg:$0x9]  }
0x15: {  	s31 =	rddreg [dreg:$0x8];
	s2 =	sadd.s32 $0x1, s30  }
0x16: {  	p0 =	sne.s32 s2, s31  }
.Ltmp1:
0x17: {  	_ = 	snop;
	(pc) =	sbr.rel @!p0 .LBB2_6-.Ltmp1, $3  }
0x18: {  	_ =	sdelay $0x1  }
0x19: {  	[sflag:s5] =	ssyncset.done $0x0  }
0x1a: {  	[sflag:s5] =	ssyncadd.s32 $0xFFFFFE00  }
.LBB2_1:
0x1b: {  	[dreg:$0x9] =	wrdreg s2  }
0x1c: {  	s0 =	rddreg [dreg:$0x5];
	s7 =	simm.s32 $0x80;
	s4 =	simm.s32 $0x100  }
0x1d: {  	[tilespmem:s8], [sflag:$0x3] =	stream.strided.gather [hbm4b:s0+s7], $0x200, s4, s7, $0x38;
	[tilespmem:$0x10600] =	vst v63  }
0x1e: {  	_ =	swait.ge [sflag:s5], $0x200  }
0x1f: {  	[sflag:s5] =	ssyncset.done $0x0  }
0x20: {  	s6 =	simm.s32 $0x200;
	s9 =	rddreg [dreg:$0x6];
	[sflag:s5] =	ssyncadd.s32 $0xFFFFFE00  }
0x21: {  	[tilespmem:s6], [sflag:$0x3] =	stream.strided.gather [hbm4b:s9+s7], $0x200, s4, s7, $0x38;
	[tilespmem:$0x10600] =	vst v63  }
0x22: {  	_ =	swait.ge [sflag:s5], $0x200  }
0x23: {  	[sflag:s5] =	ssyncset.done $0x0  }
0x24: {  	[sflag:s5] =	ssyncadd.s32 $0xFFFFFE00  }
0x25: {  	v16 =	vld [tilespmem:$0x0];
	_ =	sdelay $0x1  }
0x26: {  	v17 =	vld [tilespmem:$0x200];
	_ =	sdelay $0x2  }
0x27: {  	(v2sf) =	vpush v16, $0x0;
	_ =	sdelay $0x1  }
0x28: {  	(v2sf) =	vpush v17, $0x0;
	_ =	sdelay $0x1  }
0x29: {  	(v2sf) =	vpush v16, $0x1;
	_ =	sdelay $0x2  }
0x2a: {  	(v2sf) =	vpush v17, $0x1;
	_ =	sdelay $0x7  }
0x2b: {  	s10 =	spop (v2sf);
	(v2sf) =	vpush v16, $0x2;
	_ =	sdelay $0x1  }
0x2c: {  	s11 =	spop (v2sf);
	(v2sf) =	vpush v17, $0x2;
	_ =	sdelay $0x1  }
0x2d: {  	s12 =	spop (v2sf);
	(v2sf) =	vpush v16, $0x3;
	_ =	sdelay $0x1  }
0x2e: {  	s0 =	sand.u32 $0xFFFFF80, s10  }
0x2f: {  	s0 =	sadd.s32 s1, s0;
	s23 =	spop (v2sf);
	(v2sf) =	vpush v17, $0x3  }
0x30: {  	[tilespmem:s14], [sflag:$0x1] =	stream.strided.gather [hbm4b:s0+s14], $0x800, s13, s14, $0x38;
	[tilespmem:$0x10600] =	vst v63  }
0x31: {  	s0 =	sand.u32 $0xFFFFF80, s11  }
0x32: {  	s0 =	sadd.s32 s3, s0  }
0x33: {  	[tilespmem:s15], [sflag:$0x1] =	stream.strided.gather [hbm4b:s0+s14], $0x800, s13, s14, $0x38;
	[tilespmem:$0x10600] =	vst v63  }
0x34: {  	s0 =	sand.u32 $0xFFFFF80, s12  }
0x35: {  	s22 =	simm.s32 $0xC00;
	s0 =	sadd.s32 s1, s0  }
0x36: {  	[tilespmem:s22], [sflag:$0x1] =	stream.strided.gather [hbm4b:s0+s14], $0x800, s13, s14, $0x38;
	[tilespmem:$0x10600] =	vst v63  }
0x37: {  	s25 =	spop (v2sf);
	(v2sf) =	vpush v16, $0x4  }
0x38: {  	s0 =	sand.u32 $0xFFFFF80, s23  }
0x39: {  	s24 =	simm.s32 $0x8C00;
	s0 =	sadd.s32 s3, s0;
	s28 =	spop (v2sf);
	(v2sf) =	vpush v17, $0x4  }
0x3a: {  	[tilespmem:s24], [sflag:$0x1] =	stream.strided.gather [hbm4b:s0+s14], $0x800, s13, s14, $0x38;
	[tilespmem:$0x10600] =	vst v63  }
0x3b: {  	s0 =	sand.u32 $0xFFFFF80, s25;
	s30 =	spop (v2sf);
	(v2sf) =	vpush v16, $0x5  }
0x3c: {  	s26 =	simm.s32 $0x1400;
	s0 =	sadd.s32 s1, s0  }
0x3d: {  	[tilespmem:s26], [sflag:$0x1] =	stream.strided.gather [hbm4b:s0+s14], $0x800, s13, s14, $0x38;
	[tilespmem:$0x10600] =	vst v63  }
0x3e: {  	s4 =	spop (v2sf);
	(v2sf) =	vpush v17, $0x5  }
0x3f: {  	s0 =	sand.u32 $0xFFFFF80, s28  }
0x40: {  	s29 =	simm.s32 $0x9400;
	s0 =	sadd.s32 s3, s0  }
0x41: {  	[tilespmem:s29], [sflag:$0x1] =	stream.strided.gather [hbm4b:s0+s14], $0x800, s13, s14, $0x38;
	[tilespmem:$0x10600] =	vst v63  }
0x42: {  	s0 =	sand.u32 $0xFFFFF80, s30  }
0x43: {  	s31 =	simm.s32 $0x1C00;
	s0 =	sadd.s32 s1, s0  }
0x44: {  	[tilespmem:s31], [sflag:$0x1] =	stream.strided.gather [hbm4b:s0+s14], $0x800, s13, s14, $0x38;
	[tilespmem:$0x10600] =	vst v63  }
0x45: {  	s0 =	sand.u32 $0xFFFFF80, s4  }
0x46: {  	s5 =	simm.s32 $0x9C00;
	s0 =	sadd.s32 s3, s0;
	s6 =	spop (v2sf);
	(v2sf) =	vpush v16, $0x6  }
0x47: {  	[tilespmem:s5], [sflag:$0x1] =	stream.strided.gather [hbm4b:s0+s14], $0x800, s13, s14, $0x38;
	[tilespmem:$0x10600] =	vst v63  }
0x48: {  	s8 =	spop (v2sf);
	(v2sf) =	vpush v17, $0x6  }
0x49: {  	s0 =	sand.u32 $0xFFFFF80, s6  }
0x4a: {  	s7 =	simm.s32 $0x2400;
	s0 =	sadd.s32 s1, s0;
	s10 =	spop (v2sf)  }
0x4b: {  	(v2sf) =	vpush v16, $0x7;
	[tilespmem:s7], [sflag:$0x1] =	stream.strided.gather [hbm4b:s0+s14], $0x800, s13, s14, $0x38;
	[tilespmem:$0x10600] =	vst v63  }
0x4c: {  	s0 =	sand.u32 $0xFFFFF80, s8  }
0x4d: {  	s9 =	simm.s32 $0xA400;
	s12 =	spop (v2sf);
	s0 =	sadd.s32 s3, s0  }
0x4e: {  	(v2sf) =	vpush v17, $0x7;
	[tilespmem:s9], [sflag:$0x1] =	stream.strided.gather [hbm4b:s0+s14], $0x800, s13, s14, $0x38;
	[tilespmem:$0x10600] =	vst v63  }
0x4f: {  	s0 =	sand.u32 $0xFFFFF80, s10  }
0x50: {  	s11 =	simm.s32 $0x2C00;
	s0 =	sadd.s32 s1, s0  }
0x51: {  	[tilespmem:s11], [sflag:$0x1] =	stream.strided.gather [hbm4b:s0+s14], $0x800, s13, s14, $0x38;
	[tilespmem:$0x10600] =	vst v63  }
0x52: {  	s0 =	sand.u32 $0xFFFFF80, s12  }
0x53: {  	s22 =	simm.s32 $0xAC00;
	s0 =	sadd.s32 s3, s0  }
0x54: {  	[tilespmem:s22], [sflag:$0x1] =	stream.strided.gather [hbm4b:s0+s14], $0x800, s13, s14, $0x38;
	[tilespmem:$0x10600] =	vst v63  }
0x55: {  	s23 =	spop (v2sf)  }
0x56: {  	s0 =	sand.u32 $0xFFFFF80, s23  }
0x57: {  	s24 =	simm.s32 $0x3400;
	s25 =	spop (v2sf);
	s0 =	sadd.s32 s1, s0  }
0x58: {  	[tilespmem:s24], [sflag:$0x1] =	stream.strided.gather [hbm4b:s0+s14], $0x800, s13, s14, $0x38;
	[tilespmem:$0x10600] =	vst v63  }
0x59: {  	s0 =	sand.u32 $0xFFFFF80, s25  }
0x5a: {  	s26 =	simm.s32 $0xB400;
	s28 =	spop (v2sf);
	s0 =	sadd.s32 s3, s0  }
0x5b: {  	[tilespmem:s26], [sflag:$0x1] =	stream.strided.gather [hbm4b:s0+s14], $0x800, s13, s14, $0x38;
	[tilespmem:$0x10600] =	vst v63  }
0x5c: {  	s29 =	simm.s32 $0x3C00;
	s0 =	sand.u32 $0xFFFFF80, s28  }
.Ltmp2:
0x5d: {  	s30 =	spop (v2sf);
	s0 =	sadd.s32 s1, s0;
	(pc) =	sbr.rel .LBB2_2-.Ltmp2, $4  }
0x5e: {  	[tilespmem:s29], [sflag:$0x1] =	stream.strided.gather [hbm4b:s0+s14], $0x800, s13, s14, $0x38;
	[tilespmem:$0x10600] =	vst v63  }
0x5f: {  	s0 =	sand.u32 $0xFFFFF80, s30  }
0x60: {  	s31 =	simm.s32 $0xBC00;
	s22 =	simm.s32 $0x0;
	s0 =	sadd.s32 s3, s0  }
0x61: {  	[tilespmem:s31], [sflag:$0x1] =	stream.strided.gather [hbm4b:s0+s14], $0x800, s13, s14, $0x38;
	[tilespmem:$0x10600] =	vst v63  }
.LBB2_4:
0x62: {  	_ =	swait.ge [sflag:s21], $0x4000;
	s5 =	sand.u32 $0x7F, s24  }
0x63: {  	s11 =	sand.u32 $0x7F, s25;
	[sflag:s21] =	ssyncset.done $0x0;
	v24 =	vor.u32 s5, v8  }
0x64: {  	s26 =	sand.u32 $0x7F, s26;
	v25 =	vor.u32 s11, v8;
	[sflag:s21] =	ssyncadd.s32 $0xFFFFC000  }
0x65: {  	s28 =	sand.u32 $0x7F, s28;
	v26 =	vor.u32 s26, v9;
	_ =	swait.ge [sflag:s21], $0x4000  }
0x66: {  	s29 =	sand.u32 $0x7F, s29;
	v27 =	vor.u32 s28, v9;
	[sflag:s21] =	ssyncset.done $0x0  }
0x67: {  	s30 =	sand.u32 $0x7F, s30;
	v28 =	vor.u32 s29, v10;
	[sflag:s21] =	ssyncadd.s32 $0xFFFFC000  }
0x68: {  	s31 =	sand.u32 $0x7F, s31;
	v29 =	vor.u32 s30, v10;
	v24 =	vld.idx.msk [tilespmem:v24+s14+$0x0], $0xffff  }
0x69: {  	s0 =	sand.u32 $0x7F, s0;
	v30 =	vor.u32 s31, v11;
	v25 =	vld.idx.msk [tilespmem:v25+s15+$0x0], $0xffff  }
0x6a: {  	s24 =	sand.u32 $0x7F, s12;
	v31 =	vor.u32 s0, v11;
	v26 =	vld.idx.msk [tilespmem:v26+s14+$0x0], $0xffff  }
0x6b: {  	s25 =	sand.u32 $0x7F, s4;
	v33 =	vor.u32 s24, v12;
	v27 =	vld.idx.msk [tilespmem:v27+s15+$0x0], $0xffff  }
0x6c: {  	s11 =	sand.u32 $0x7F, s2;
	v34 =	vor.u32 s25, v13;
	v28 =	vld.idx.msk [tilespmem:v28+s14+$0x0], $0xffff  }
0x6d: {  	s26 =	sand.u32 $0x7F, s9;
	v32 =	vor.u32 s11, v12;
	v29 =	vld.idx.msk [tilespmem:v29+s15+$0x0], $0xffff  }
0x6e: {  	s28 =	sand.u32 $0x7F, s10;
	v35 =	vor.u32 s26, v13;
	v30 =	vld.idx.msk [tilespmem:v30+s14+$0x0], $0xffff  }
0x6f: {  	s29 =	sand.u32 $0x7F, s6;
	v36 =	vor.u32 s28, v14;
	v31 =	vld.idx.msk [tilespmem:v31+s15+$0x0], $0xffff  }
0x70: {  	v37 =	vor.u32 s29, v14;
	v33 =	vld.idx.msk [tilespmem:v33+s15+$0x0], $0xffff  }
0x71: {  	s30 =	sand.u32 $0x7F, s7;
	v34 =	vld.idx.msk [tilespmem:v34+s14+$0x0], $0xffff  }
0x72: {  	s31 =	sand.u32 $0x7F, s8;
	v38 =	vor.u32 s30, v15;
	v32 =	vld.idx.msk [tilespmem:v32+s14+$0x0], $0xffff  }
0x73: {  	v39 =	vor.u32 s31, v15;
	v35 =	vld.idx.msk [tilespmem:v35+s15+$0x0], $0xffff;
	v24 =	vmul.f32 v25, v24  }
0x74: {  	v36 =	vld.idx.msk [tilespmem:v36+s14+$0x0], $0xffff;
	v26 =	vmul.f32 v27, v26  }
0x75: {  	v45 =	vld.idx.msk [tilespmem:v37+s15+$0x0], $0xffff;
	v46 =	vmul.f32 v29, v28;
	(xrf2) =	vadd.scan.msk.f32 $0xffff, v24  }
0x76: {  	v47 =	vmul.f32 v31, v30;
	(xrf2) =	vadd.scan.msk.f32 $0xffff, v26  }
0x77: {  	v48 =	vld.idx.msk [tilespmem:v38+s14+$0x0], $0xffff;
	v49 =	vmul.f32 v33, v32;
	(xrf2) =	vadd.scan.msk.f32 $0xffff, v46  }
0x78: {  	v50 =	vld.idx.msk [tilespmem:v39+s15+$0x0], $0xffff;
	v51 =	vmul.f32 v35, v34;
	(xrf2) =	vadd.scan.msk.f32 $0xffff, v47  }
0x79: {  	v22 =	vbroadcast v22, $0xF;
	v23 =	vbroadcast v23, $0xF;
	(xrf2) =	vadd.scan.msk.f32 $0xffff, v49  }
0x7a: {  	v21 =	vbroadcast v21, $0xF;
	v25 =	vmul.f32 v45, v36;
	(xrf2) =	vadd.scan.msk.f32 $0xffff, v51  }
0x7b: {  	v20 =	vbroadcast v20, $0xF;
	v22 =	vsel vm0, v22, v23  }
0x7c: {  	v19 =	vbroadcast v19, $0xF;
	v21 =	vsel vm1, v22, v21;
	(xrf2) =	vadd.scan.msk.f32 $0xffff, v25  }
0x7d: {  	v18 =	vbroadcast v18, $0xF;
	v20 =	vsel vm2, v21, v20;
	v52 =	vmul.f32 v50, v48  }
0x7e: {  	v17 =	vbroadcast v17, $0xF;
	v19 =	vsel vm3, v20, v19  }
0x7f: {  	v16 =	vbroadcast v16, $0xF;
	v18 =	vsel vm4, v19, v18;
	(xrf2) =	vadd.scan.msk.f32 $0xffff, v52;
	v53, _, _ =	vpop (xrf2)  }
0x80: {  	v17 =	vsel vm5, v18, v17;
	v54, _, _ =	vpop (xrf2);
	v55 =	vbroadcast v53, $0xF  }
0x81: {  	v16 =	vsel vm6, v17, v16;
	v56, _, _ =	vpop (xrf2);
	v17 =	vbroadcast v54, $0xF  }
0x82: {  	v57, _, _ =	vpop (xrf2);
	v16 =	vsel vm7, v55, v16;
	v58 =	vbroadcast v56, $0xF  }
0x83: {  	v59, _, _ =	vpop (xrf2);
	v16 =	vsel vm8, v16, v17;
	v17 =	vbroadcast v57, $0xF  }
0x84: {  	v60, _, _ =	vpop (xrf2);
	v16 =	vsel vm9, v16, v58  }
0x85: {  	s22 =	sadd.s32 $0x40, s22;
	v61 =	vbroadcast v59, $0xF;
	v16 =	vsel vm10, v16, v17;
	v17 =	vbroadcast v60, $0xF  }
0x86: {  	p0 =	sne.s32 s22, $0x800;
	v62, _, _ =	vpop (xrf2)  }
.Ltmp3:
0x87: {  	v16 =	vsel vm11, v16, v61;
	v63 =	vbroadcast v62, $0xF;
	(pc) =	sbr.rel @!p0 .LBB2_5-.Ltmp3, $4  }
0x88: {  	v16 =	vsel vm12, v16, v17  }
0x89: {  	v16 =	vsel vm13, v16, v63;
	v17, _, _ =	vpop (xrf2)  }
0x8a: {  	v16 =	vsel vm14, v16, v17  }
0x8b: {  	[tilespmem:s23+$0x10400] =	vst v16  }
.LBB2_2:
0x8c: {  	s23 =	sshra.s32 s22, $0x2  }
0x8d: {  	v16 =	vld [tilespmem:s23+$0x0]  }
0x8e: {  	v17 =	vld [tilespmem:s23+$0x200];
	_ =	sdelay $0x3  }
0x8f: {  	(v2sf) =	vpush v16, $0x8  }
0x90: {  	(v2sf) =	vpush v17, $0x8  }
0x91: {  	(v2sf) =	vpush v16, $0x9;
	_ =	sdelay $0x1  }
0x92: {  	(v2sf) =	vpush v17, $0x9;
	_ =	sdelay $0x1  }
0x93: {  	(v2sf) =	vpush v16, $0xA;
	_ =	sdelay $0x1  }
0x94: {  	(v2sf) =	vpush v17, $0xA;
	_ =	sdelay $0x3  }
0x95: {  	(v2sf) =	vpush v16, $0xB;
	_ =	sdelay $0x1  }
0x96: {  	s2 =	simm.s32 $0x4400;
	(v2sf) =	vpush v17, $0xB  }
0x97: {  	s6 =	simm.s32 $0xC400;
	s8 =	simm.s32 $0x4C00;
	s24 =	spop (v2sf)  }
0x98: {  	s10 =	simm.s32 $0xCC00;
	s0 =	sand.u32 $0xFFFFF80, s24;
	s25 =	spop (v2sf)  }
0x99: {  	s0 =	sadd.s32 s1, s0;
	s5 =	sand.u32 $0xFFFFF80, s25;
	s26 =	spop (v2sf)  }
0x9a: {  	[tilespmem:s2], [sflag:$0x2] =	stream.strided.gather [hbm4b:s0+s14], $0x800, s13, s14, $0x38;
	[tilespmem:$0x10600] =	vst v63  }
0x9b: {  	(v2sf) =	vpush v16, $0xC;
	s0 =	sadd.s32 s3, s5;
	s7 =	sand.u32 $0xFFFFF80, s26;
	s28 =	spop (v2sf)  }
0x9c: {  	(v2sf) =	vpush v17, $0xC;
	[tilespmem:s6], [sflag:$0x2] =	stream.strided.gather [hbm4b:s0+s14], $0x800, s13, s14, $0x38;
	[tilespmem:$0x10600] =	vst v63  }
0x9d: {  	s9 =	sand.u32 $0xFFFFF80, s28;
	s29 =	spop (v2sf);
	s0 =	sadd.s32 s1, s7  }
0x9e: {  	[tilespmem:s8], [sflag:$0x2] =	stream.strided.gather [hbm4b:s0+s14], $0x800, s13, s14, $0x38;
	[tilespmem:$0x10600] =	vst v63  }
0x9f: {  	s11 =	sand.u32 $0xFFFFF80, s29;
	s30 =	spop (v2sf);
	s0 =	sadd.s32 s3, s9  }
0xa0: {  	[tilespmem:s10], [sflag:$0x2] =	stream.strided.gather [hbm4b:s0+s14], $0x800, s13, s14, $0x38;
	[tilespmem:$0x10600] =	vst v63  }
0xa1: {  	s12 =	simm.s32 $0x5400;
	(v2sf) =	vpush v16, $0xD;
	s2 =	sand.u32 $0xFFFFF80, s30;
	s0 =	sadd.s32 s1, s11  }
0xa2: {  	(v2sf) =	vpush v17, $0xD;
	[tilespmem:s12], [sflag:$0x2] =	stream.strided.gather [hbm4b:s0+s14], $0x800, s13, s14, $0x38;
	[tilespmem:$0x10600] =	vst v63  }
0xa3: {  	s4 =	simm.s32 $0xD400;
	s31 =	spop (v2sf);
	s0 =	sadd.s32 s3, s2  }
0xa4: {  	[tilespmem:s4], [sflag:$0x2] =	stream.strided.gather [hbm4b:s0+s14], $0x800, s13, s14, $0x38;
	[tilespmem:$0x10600] =	vst v63  }
0xa5: {  	(v2sf) =	vpush v16, $0xE;
	s5 =	sand.u32 $0xFFFFF80, s31;
	s0 =	spop (v2sf)  }
0xa6: {  	s2 =	sadd.s32 s1, s5;
	s4 =	simm.s32 $0x5C00;
	s6 =	sand.u32 $0xFFFFF80, s0  }
0xa7: {  	(v2sf) =	vpush v17, $0xE;
	[tilespmem:s4], [sflag:$0x2] =	stream.strided.gather [hbm4b:s2+s14], $0x800, s13, s14, $0x38;
	[tilespmem:$0x10600] =	vst v63  }
0xa8: {  	s7 =	simm.s32 $0xDC00;
	s2 =	sadd.s32 s3, s6  }
0xa9: {  	[tilespmem:s7], [sflag:$0x2] =	stream.strided.gather [hbm4b:s2+s14], $0x800, s13, s14, $0x38;
	[tilespmem:$0x10600] =	vst v63  }
0xaa: {  	s2 =	spop (v2sf)  }
0xab: {  	s8 =	sand.u32 $0xFFFFF80, s2;
	s12 =	spop (v2sf)  }
0xac: {  	(v2sf) =	vpush v16, $0xF;
	s5 =	simm.s32 $0x6400;
	s4 =	sadd.s32 s1, s8;
	s9 =	sand.u32 $0xFFFFF80, s12  }
0xad: {  	(v2sf) =	vpush v17, $0xF;
	[tilespmem:s5], [sflag:$0x2] =	stream.strided.gather [hbm4b:s4+s14], $0x800, s13, s14, $0x38;
	[tilespmem:$0x10600] =	vst v63  }
0xae: {  	s10 =	simm.s32 $0xE400;
	s4 =	sadd.s32 s3, s9  }
0xaf: {  	[tilespmem:s10], [sflag:$0x2] =	stream.strided.gather [hbm4b:s4+s14], $0x800, s13, s14, $0x38;
	[tilespmem:$0x10600] =	vst v63  }
0xb0: {  	s4 =	spop (v2sf)  }
0xb1: {  	s6 =	sand.u32 $0xFFFFF80, s4;
	s9 =	spop (v2sf)  }
0xb2: {  	s11 =	simm.s32 $0x6C00;
	s6 =	sadd.s32 s1, s6;
	s5 =	sand.u32 $0xFFFFF80, s9  }
0xb3: {  	[tilespmem:s11], [sflag:$0x2] =	stream.strided.gather [hbm4b:s6+s14], $0x800, s13, s14, $0x38;
	[tilespmem:$0x10600] =	vst v63  }
0xb4: {  	s7 =	simm.s32 $0xEC00;
	s10 =	spop (v2sf);
	s6 =	sadd.s32 s3, s5  }
0xb5: {  	[tilespmem:s7], [sflag:$0x2] =	stream.strided.gather [hbm4b:s6+s14], $0x800, s13, s14, $0x38;
	[tilespmem:$0x10600] =	vst v63  }
0xb6: {  	s7 =	sand.u32 $0xFFFFF80, s10;
	s6 =	spop (v2sf)  }
0xb7: {  	s7 =	sadd.s32 s1, s7;
	s8 =	sand.u32 $0xFFFFF80, s6  }
0xb8: {  	[tilespmem:s16], [sflag:$0x2] =	stream.strided.gather [hbm4b:s7+s14], $0x800, s13, s14, $0x38;
	[tilespmem:$0x10600] =	vst v63  }
0xb9: {  	s7 =	sadd.s32 s3, s8  }
0xba: {  	[tilespmem:s17], [sflag:$0x2] =	stream.strided.gather [hbm4b:s7+s14], $0x800, s13, s14, $0x38;
	[tilespmem:$0x10600] =	vst v63  }
0xbb: {  	s7 =	spop (v2sf)  }
0xbc: {  	s11 =	sand.u32 $0xFFFFF80, s7;
	s8 =	spop (v2sf)  }
0xbd: {  	s5 =	sadd.s32 s1, s11;
	s11 =	sand.u32 $0xFFFFF80, s8  }
0xbe: {  	[tilespmem:s18], [sflag:$0x2] =	stream.strided.gather [hbm4b:s5+s14], $0x800, s13, s14, $0x38;
	[tilespmem:$0x10600] =	vst v63  }
0xbf: {  	s5 =	sadd.s32 s3, s11  }
0xc0: {  	[tilespmem:s19], [sflag:$0x2] =	stream.strided.gather [hbm4b:s5+s14], $0x800, s13, s14, $0x38;
	[tilespmem:$0x10600] =	vst v63  }
0xc1: {  	_ =	swait.ge [sflag:s20], $0x4000  }
0xc2: {  	[sflag:s20] =	ssyncset.done $0x0  }
0xc3: {  	[sflag:s20] =	ssyncadd.s32 $0xFFFFC000  }
0xc4: {  	_ =	swait.ge [sflag:s20], $0x4000  }
0xc5: {  	(v2sf) =	vpush v16, $0x0  }
0xc6: {  	(v2sf) =	vpush v17, $0x0  }
0xc7: {  	(v2sf) =	vpush v16, $0x1  }
0xc8: {  	(v2sf) =	vpush v17, $0x1  }
0xc9: {  	(v2sf) =	vpush v16, $0x2  }
0xca: {  	(v2sf) =	vpush v17, $0x2  }
0xcb: {  	(v2sf) =	vpush v16, $0x3  }
0xcc: {  	(v2sf) =	vpush v17, $0x3  }
0xcd: {  	(v2sf) =	vpush v16, $0x4  }
0xce: {  	(v2sf) =	vpush v17, $0x4  }
0xcf: {  	(v2sf) =	vpush v16, $0x5  }
0xd0: {  	(v2sf) =	vpush v17, $0x5  }
0xd1: {  	(v2sf) =	vpush v16, $0x6  }
0xd2: {  	(v2sf) =	vpush v17, $0x6  }
0xd3: {  	(v2sf) =	vpush v16, $0x7  }
0xd4: {  	s5 =	spop (v2sf);
	(v2sf) =	vpush v17, $0x7  }
0xd5: {  	s11 =	spop (v2sf);
	s5 =	sand.u32 $0x7F, s5  }
0xd6: {  	v16 =	vor.u32 s5, v0;
	s5 =	spop (v2sf);
	s11 =	sand.u32 $0x7F, s11  }
0xd7: {  	v17 =	vor.u32 s11, v0;
	s11 =	spop (v2sf);
	s5 =	sand.u32 $0x7F, s5  }
0xd8: {  	v18 =	vor.u32 s5, v1;
	s5 =	spop (v2sf);
	s11 =	sand.u32 $0x7F, s11  }
0xd9: {  	[sflag:s20] =	ssyncset.done $0x0;
	v19 =	vor.u32 s11, v1;
	s11 =	spop (v2sf);
	s5 =	sand.u32 $0x7F, s5  }
0xda: {  	[sflag:s20] =	ssyncadd.s32 $0xFFFFC000;
	v20 =	vor.u32 s5, v2;
	s5 =	spop (v2sf);
	s11 =	sand.u32 $0x7F, s11  }
0xdb: {  	v21 =	vor.u32 s11, v2;
	s11 =	spop (v2sf);
	v16 =	vld.idx.msk [tilespmem:v16+s14+$0x0], $0xffff;
	s5 =	sand.u32 $0x7F, s5  }
0xdc: {  	v22 =	vor.u32 s5, v3;
	s5 =	spop (v2sf);
	v17 =	vld.idx.msk [tilespmem:v17+s15+$0x0], $0xffff;
	s11 =	sand.u32 $0x7F, s11  }
0xdd: {  	v23 =	vor.u32 s11, v3;
	s11 =	spop (v2sf);
	v18 =	vld.idx.msk [tilespmem:v18+s14+$0x0], $0xffff;
	s5 =	sand.u32 $0x7F, s5  }
0xde: {  	v24 =	vor.u32 s5, v4;
	s5 =	spop (v2sf);
	v19 =	vld.idx.msk [tilespmem:v19+s15+$0x0], $0xffff;
	s11 =	sand.u32 $0x7F, s11  }
0xdf: {  	v25 =	vor.u32 s11, v4;
	s11 =	spop (v2sf);
	v20 =	vld.idx.msk [tilespmem:v20+s14+$0x0], $0xffff;
	s5 =	sand.u32 $0x7F, s5  }
0xe0: {  	v26 =	vor.u32 s5, v5;
	s5 =	spop (v2sf);
	v21 =	vld.idx.msk [tilespmem:v21+s15+$0x0], $0xffff;
	s11 =	sand.u32 $0x7F, s11  }
0xe1: {  	v27 =	vor.u32 s11, v5;
	s11 =	spop (v2sf);
	v22 =	vld.idx.msk [tilespmem:v22+s14+$0x0], $0xffff;
	s5 =	sand.u32 $0x7F, s5  }
0xe2: {  	v28 =	vor.u32 s5, v6;
	s5 =	spop (v2sf);
	v23 =	vld.idx.msk [tilespmem:v23+s15+$0x0], $0xffff;
	s11 =	sand.u32 $0x7F, s11  }
0xe3: {  	v24 =	vld.idx.msk [tilespmem:v24+s14+$0x0], $0xffff;
	v29 =	vor.u32 s11, v6;
	s5 =	sand.u32 $0x7F, s5;
	s11 =	spop (v2sf)  }
0xe4: {  	v30 =	vor.u32 s5, v7;
	v25 =	vld.idx.msk [tilespmem:v25+s15+$0x0], $0xffff;
	s11 =	sand.u32 $0x7F, s11  }
0xe5: {  	v31 =	vor.u32 s11, v7;
	v26 =	vld.idx.msk [tilespmem:v26+s14+$0x0], $0xffff  }
0xe6: {  	v27 =	vld.idx.msk [tilespmem:v27+s15+$0x0], $0xffff  }
0xe7: {  	v28 =	vld.idx.msk [tilespmem:v28+s14+$0x0], $0xffff  }
0xe8: {  	v16 =	vmul.f32 v17, v16;
	v17 =	vld.idx.msk [tilespmem:v29+s15+$0x0], $0xffff  }
0xe9: {  	v18 =	vmul.f32 v19, v18;
	v19 =	vld.idx.msk [tilespmem:v30+s14+$0x0], $0xffff  }
0xea: {  	(xrf2) =	vadd.scan.msk.f32 $0xffff, v16;
	v16 =	vmul.f32 v21, v20;
	v20 =	vld.idx.msk [tilespmem:v31+s15+$0x0], $0xffff  }
0xeb: {  	(xrf2) =	vadd.scan.msk.f32 $0xffff, v18;
	v18 =	vmul.f32 v23, v22  }
0xec: {  	(xrf2) =	vadd.scan.msk.f32 $0xffff, v16;
	v16 =	vmul.f32 v25, v24  }
0xed: {  	(xrf2) =	vadd.scan.msk.f32 $0xffff, v18;
	v18 =	vmul.f32 v27, v26  }
0xee: {  	(xrf2) =	vadd.scan.msk.f32 $0xffff, v16;
	v16 =	vmul.f32 v17, v28  }
0xef: {  	(xrf2) =	vadd.scan.msk.f32 $0xffff, v18;
	v17 =	vmul.f32 v20, v19  }
0xf0: {  	(xrf2) =	vadd.scan.msk.f32 $0xffff, v16  }
0xf1: {  	(xrf2) =	vadd.scan.msk.f32 $0xffff, v17;
	_ =	sdelay $0x2  }
0xf2: {  	v22, _, _ =	vpop (xrf2)  }
0xf3: {  	v23, _, _ =	vpop (xrf2)  }
0xf4: {  	p0 =	seq.s32 s22, $0x7C0;
	v21, _, _ =	vpop (xrf2)  }
.Ltmp4:
0xf5: {  	v20, _, _ =	vpop (xrf2);
	(pc) =	sbr.rel @p0 .LBB2_4-.Ltmp4, $4  }
0xf6: {  	v19, _, _ =	vpop (xrf2)  }
0xf7: {  	v18, _, _ =	vpop (xrf2)  }
0xf8: {  	v17, _, _ =	vpop (xrf2)  }
0xf9: {  	v16, _, _ =	vpop (xrf2)  }
0xfa: {  	v24 =	vld [tilespmem:s23+$0x10];
	_ =	sdelay $0x2  }
0xfb: {  	v25 =	vld [tilespmem:s23+$0x210];
	_ =	sdelay $0x1  }
0xfc: {  	(v2sf) =	vpush v24, $0x0;
	_ =	sdelay $0x2  }
0xfd: {  	(v2sf) =	vpush v25, $0x0;
	_ =	sdelay $0x2  }
0xfe: {  	(v2sf) =	vpush v24, $0x1;
	_ =	sdelay $0x4  }
0xff: {  	(v2sf) =	vpush v25, $0x1;
	_ =	sdelay $0x3  }
0x100: {  	s5 =	spop (v2sf);
	(v2sf) =	vpush v24, $0x2;
	_ =	sdelay $0x1  }
0x101: {  	s5 =	sand.u32 $0xFFFFF80, s5  }
0x102: {  	s11 =	spop (v2sf);
	s5 =	sadd.s32 s1, s5  }
0x103: {  	(v2sf) =	vpush v25, $0x2;
	[tilespmem:s14], [sflag:$0x1] =	stream.strided.gather [hbm4b:s5+s14], $0x800, s13, s14, $0x38;
	[tilespmem:$0x10600] =	vst v63  }
0x104: {  	s5 =	sand.u32 $0xFFFFF80, s11  }
0x105: {  	s11 =	spop (v2sf);
	s5 =	sadd.s32 s3, s5  }
0x106: {  	[tilespmem:s15], [sflag:$0x1] =	stream.strided.gather [hbm4b:s5+s14], $0x800, s13, s14, $0x38;
	[tilespmem:$0x10600] =	vst v63  }
0x107: {  	(v2sf) =	vpush v24, $0x3;
	s5 =	sand.u32 $0xFFFFF80, s11  }
0x108: {  	s11 =	simm.s32 $0xC00;
	s5 =	sadd.s32 s1, s5  }
0x109: {  	[tilespmem:s11], [sflag:$0x1] =	stream.strided.gather [hbm4b:s5+s14], $0x800, s13, s14, $0x38;
	[tilespmem:$0x10600] =	vst v63  }
0x10a: {  	s11 =	spop (v2sf)  }
0x10b: {  	(v2sf) =	vpush v25, $0x3;
	s5 =	sand.u32 $0xFFFFF80, s11  }
0x10c: {  	s11 =	simm.s32 $0x8C00;
	s5 =	sadd.s32 s3, s5  }
0x10d: {  	[tilespmem:s11], [sflag:$0x1] =	stream.strided.gather [hbm4b:s5+s14], $0x800, s13, s14, $0x38;
	[tilespmem:$0x10600] =	vst v63  }
0x10e: {  	s11 =	spop (v2sf)  }
0x10f: {  	(v2sf) =	vpush v24, $0x4;
	s5 =	sand.u32 $0xFFFFF80, s11  }
0x110: {  	s11 =	simm.s32 $0x1400;
	s5 =	sadd.s32 s1, s5  }
0x111: {  	[tilespmem:s11], [sflag:$0x1] =	stream.strided.gather [hbm4b:s5+s14], $0x800, s13, s14, $0x38;
	[tilespmem:$0x10600] =	vst v63  }
0x112: {  	s11 =	spop (v2sf)  }
0x113: {  	(v2sf) =	vpush v25, $0x4;
	s5 =	sand.u32 $0xFFFFF80, s11  }
0x114: {  	s11 =	simm.s32 $0x9400;
	s5 =	sadd.s32 s3, s5  }
0x115: {  	[tilespmem:s11], [sflag:$0x1] =	stream.strided.gather [hbm4b:s5+s14], $0x800, s13, s14, $0x38;
	[tilespmem:$0x10600] =	vst v63  }
0x116: {  	s11 =	spop (v2sf)  }
0x117: {  	(v2sf) =	vpush v24, $0x5;
	s5 =	sand.u32 $0xFFFFF80, s11  }
0x118: {  	s11 =	simm.s32 $0x1C00;
	s5 =	sadd.s32 s1, s5  }
0x119: {  	[tilespmem:s11], [sflag:$0x1] =	stream.strided.gather [hbm4b:s5+s14], $0x800, s13, s14, $0x38;
	[tilespmem:$0x10600] =	vst v63  }
0x11a: {  	s11 =	spop (v2sf)  }
0x11b: {  	(v2sf) =	vpush v25, $0x5;
	s5 =	sand.u32 $0xFFFFF80, s11  }
0x11c: {  	s11 =	simm.s32 $0x9C00;
	s5 =	sadd.s32 s3, s5  }
0x11d: {  	[tilespmem:s11], [sflag:$0x1] =	stream.strided.gather [hbm4b:s5+s14], $0x800, s13, s14, $0x38;
	[tilespmem:$0x10600] =	vst v63  }
0x11e: {  	s11 =	spop (v2sf)  }
0x11f: {  	(v2sf) =	vpush v24, $0x6;
	s5 =	sand.u32 $0xFFFFF80, s11  }
0x120: {  	s11 =	simm.s32 $0x2400;
	s5 =	sadd.s32 s1, s5  }
0x121: {  	[tilespmem:s11], [sflag:$0x1] =	stream.strided.gather [hbm4b:s5+s14], $0x800, s13, s14, $0x38;
	[tilespmem:$0x10600] =	vst v63  }
0x122: {  	s11 =	spop (v2sf)  }
0x123: {  	(v2sf) =	vpush v25, $0x6;
	s5 =	sand.u32 $0xFFFFF80, s11  }
0x124: {  	s11 =	simm.s32 $0xA400;
	s5 =	sadd.s32 s3, s5  }
0x125: {  	[tilespmem:s11], [sflag:$0x1] =	stream.strided.gather [hbm4b:s5+s14], $0x800, s13, s14, $0x38;
	[tilespmem:$0x10600] =	vst v63  }
0x126: {  	s11 =	spop (v2sf)  }
0x127: {  	(v2sf) =	vpush v24, $0x7;
	s5 =	sand.u32 $0xFFFFF80, s11  }
0x128: {  	s11 =	simm.s32 $0x2C00;
	s5 =	sadd.s32 s1, s5  }
0x129: {  	[tilespmem:s11], [sflag:$0x1] =	stream.strided.gather [hbm4b:s5+s14], $0x800, s13, s14, $0x38;
	[tilespmem:$0x10600] =	vst v63  }
0x12a: {  	s11 =	spop (v2sf)  }
0x12b: {  	s5 =	sand.u32 $0xFFFFF80, s11  }
0x12c: {  	(v2sf) =	vpush v25, $0x7;
	s11 =	simm.s32 $0xAC00;
	s5 =	sadd.s32 s3, s5  }
0x12d: {  	[tilespmem:s11], [sflag:$0x1] =	stream.strided.gather [hbm4b:s5+s14], $0x800, s13, s14, $0x38;
	[tilespmem:$0x10600] =	vst v63  }
0x12e: {  	s11 =	spop (v2sf)  }
0x12f: {  	s5 =	sand.u32 $0xFFFFF80, s11  }
0x130: {  	s11 =	simm.s32 $0x3400;
	s5 =	sadd.s32 s1, s5  }
0x131: {  	[tilespmem:s11], [sflag:$0x1] =	stream.strided.gather [hbm4b:s5+s14], $0x800, s13, s14, $0x38;
	[tilespmem:$0x10600] =	vst v63  }
0x132: {  	s11 =	spop (v2sf)  }
0x133: {  	s5 =	sand.u32 $0xFFFFF80, s11  }
0x134: {  	s11 =	simm.s32 $0xB400;
	s5 =	sadd.s32 s3, s5  }
0x135: {  	[tilespmem:s11], [sflag:$0x1] =	stream.strided.gather [hbm4b:s5+s14], $0x800, s13, s14, $0x38;
	[tilespmem:$0x10600] =	vst v63  }
0x136: {  	s11 =	spop (v2sf)  }
0x137: {  	s5 =	sand.u32 $0xFFFFF80, s11  }
0x138: {  	s11 =	simm.s32 $0x3C00;
	s5 =	sadd.s32 s1, s5  }
0x139: {  	[tilespmem:s11], [sflag:$0x1] =	stream.strided.gather [hbm4b:s5+s14], $0x800, s13, s14, $0x38;
	[tilespmem:$0x10600] =	vst v63  }
.Ltmp5:
0x13a: {  	_ = 	snop;
	(pc) =	sbr.rel .LBB2_4-.Ltmp5, $4  }
0x13b: {  	s11 =	spop (v2sf)  }
0x13c: {  	s5 =	sand.u32 $0xFFFFF80, s11  }
0x13d: {  	s11 =	simm.s32 $0xBC00;
	s5 =	sadd.s32 s3, s5  }
0x13e: {  	[tilespmem:s11], [sflag:$0x1] =	stream.strided.gather [hbm4b:s5+s14], $0x800, s13, s14, $0x38;
	[tilespmem:$0x10600] =	vst v63  }
.LBB2_6:
0x13f: {  	_ =	sfence.sel $0x180000  }
0x140: {  	[bflag:$0x0] =	sbarrier.arrive $0xFFFF  }
0x141: {  	_ =	strace $0x90000047  }
0x142: {  	s0 =	stileid.u32;
	[bflag:$0x2] =	sbarrier.arrive $0xFFFF  }
0x143: {  	p0 =	sne.s32 s0, $0x0;
	s0 =	rddreg [dreg:$0x4]  }
0x144: {  	s0 =	sadd.s32 @!p0 $0x100000, s0  }
0x145: {  	[sflag:s0] =	ssyncadd.tile.s32 @!p0 $0x1;
	_ =	shalt  }
.Lfunc_end2:
_tile_overlayer_lowered:
.L_overlay_start_2:
0x146: {  	(tag) =	ssettag $0x2  }
0x147: {  	s0 =	rddreg [dreg:$0x0];
	s2 =	stileid.u32  }
0x148: {  	s1 =	rddreg [dreg:$0x1];
	p0 =	sne.s32 s2, $0x0  }
0x149: {  	s3 =	rddreg [dreg:$0x2];
	[bflag:$0x3] =	sbarrier.arrive $0xFFFF;
	s2 =	simm.s32 @!p0 $0x1C03  }
0x14a: {  	[timem:s3], [sflag:s2] =	dma.local @!p0 [hbm:s0], s1  }
0x14b: {  	s0 =	simm.s32 @!p0 $0x3  }
0x14c: {  	_ =	swait.ge @!p0 [sflag:s0], s1  }
0x14d: {  	s1 =	ssub.s32 @!p0 $0x0, s1;
	[sflag:s0] =	ssyncset.done @!p0 $0x0  }
0x14e: {  	[sflag:s0] =	ssyncadd.s32 @!p0 s1  }
0x14f: {  	[bflag:$0x3] =	sbarrier.arrive $0xFFFF  }
0x150: {  	_ =	shalt  }

</sc_bundles>
